<compile_context>
chip_gen: v7x
topology: tpu7x:2x2x1
jax: 0.10.2.dev20260603
libtpu: 0.0.44.dev20260713+nightly
codegen_flags: <defaults>
</compile_context>

<pallas_src>
import functools

import jax
import jax.numpy as jnp
import numpy as np
from jax import lax
from jax.experimental import pallas as pl
from jax.experimental.pallas import tpu as pltpu
from jax.experimental.pallas import tpu_sc as plsc

B, N, S, K = 8, 4096, 512, 32
DIN, DMID, DOUT = 128, 128, 256
R2 = np.float32(0.2 ** 2)
INV_SQRT = np.float32(1.0) / np.sqrt(np.float32(1.0 + 1e-5))
NCHUNK = N // 128


def _embed_body(f_ref, w1_ref, b1_ref, w2_ref, b2_ref, o_ref):
    xb = f_ref[...].astype(jnp.bfloat16)
    h = jax.lax.dot_general(xb, w1_ref[...].astype(jnp.bfloat16),
                            (((1,), (0,)), ((), ())),
                            preferred_element_type=jnp.float32)
    h = h + b1_ref[...]
    h = jnp.maximum(h, 0.0)
    h2 = jax.lax.dot_general(h.astype(jnp.bfloat16),
                             w2_ref[...].astype(jnp.bfloat16),
                             (((1,), (0,)), ((), ())),
                             preferred_element_type=jnp.float32)
    o_ref[...] = jnp.maximum(h2 + b2_ref[...], 0.0)


def _embed(f2d, w1s, b1s, w2s, b2s):
    blk = 1024
    return pl.pallas_call(
        _embed_body,
        grid=(B * N // blk,),
        in_specs=[pl.BlockSpec((blk, DIN), lambda i: (i, 0)),
                  pl.BlockSpec((DIN, DMID), lambda i: (0, 0)),
                  pl.BlockSpec((1, DMID), lambda i: (0, 0)),
                  pl.BlockSpec((DMID, DOUT), lambda i: (0, 0)),
                  pl.BlockSpec((1, DOUT), lambda i: (0, 0))],
        out_specs=pl.BlockSpec((blk, DOUT), lambda i: (i, 0)),
        out_shape=jax.ShapeDtypeStruct((B * N, DOUT), jnp.float32),
    )(f2d, w1s, b1s, w2s, b2s)


def _fps_body(xt_ref, xs_ref, gidx_ref, dmin_ref):
    xt = xt_ref[...]
    lane = lax.broadcasted_iota(jnp.int32, (B, N), 1)
    slane = lax.broadcasted_iota(jnp.int32, (B, S), 1)
    slane3 = lax.broadcasted_iota(jnp.int32, (3, B, S), 2)
    boff = lax.broadcasted_iota(jnp.int32, (B, 1), 0) * N
    dmin_ref[...] = jnp.full((B, N), 1e10, jnp.float32)

    def step(i, far):
        gidx_ref[...] = jnp.where(slane == i, far + boff, gidx_ref[...])
        oh = lane == far
        sel = jnp.where(oh[None], xt, 0.0)
        c = jnp.sum(sel, axis=2, keepdims=True)
        xs_ref[...] = jnp.where(slane3 == i, c, xs_ref[...])
        d = xt - c
        d = d * d
        dist = (d[0] + d[1]) + d[2]
        dm = jnp.minimum(dmin_ref[...], dist)
        dmin_ref[...] = dm
        m = jnp.max(dm, axis=1, keepdims=True)
        far_new = jnp.min(jnp.where(dm == m, lane, jnp.int32(N)), axis=1,
                          keepdims=True)
        return far_new

    lax.fori_loop(0, S, step, jnp.zeros((B, 1), jnp.int32))


def _fps(xt):
    return pl.pallas_call(
        _fps_body,
        in_specs=[pl.BlockSpec((3, B, N), lambda: (0, 0, 0))],
        out_specs=[pl.BlockSpec((3, B, S), lambda: (0, 0, 0)),
                   pl.BlockSpec((B, S), lambda: (0, 0))],
        out_shape=[jax.ShapeDtypeStruct((3, B, S), jnp.float32),
                   jax.ShapeDtypeStruct((B, S), jnp.int32)],
        scratch_shapes=[pltpu.VMEM((B, N), jnp.float32)],
    )(xt)


def _ballq_body(xc_ref, at_ref, o_ref, base_scr, acc_scr):
    b = pl.program_id(0)
    j = pl.program_id(1)

    @pl.when(j == 0)
    def _():
        base_scr[...] = jnp.zeros((1, S), jnp.float32)
        acc_scr[...] = jnp.zeros((K, S), jnp.float32)

    xc = xc_ref[0]
    at = at_ref[0]
    eT = jax.lax.dot_general(xc.astype(jnp.bfloat16), at.astype(jnp.bfloat16),
                             (((1,), (0,)), ((), ())),
                             preferred_element_type=jnp.float32)
    s2T = (at[0:1] * at[0:1] + at[1:2] * at[1:2]) + at[2:3] * at[2:3]
    n2T = (xc[:, 0:1] * xc[:, 0:1] + xc[:, 1:2] * xc[:, 1:2]) + xc[:, 2:3] * xc[:, 2:3]
    dT = (eT * (-2.0) + s2T) + n2T
    maskT = jnp.logical_not(dT > R2).astype(jnp.bfloat16)

    tril = (lax.broadcasted_iota(jnp.int32, (128, 128), 1)
            <= lax.broadcasted_iota(jnp.int32, (128, 128), 0)).astype(jnp.bfloat16)
    lc = jax.lax.dot_general(tril, maskT, (((1,), (0,)), ((), ())),
                             preferred_element_type=jnp.float32)
    lc = lc + base_scr[...]
    base_scr[...] = lc[127:128, :]
    u = jnp.minimum(lc, 34.0)

    cols = []
    for k in range(K):
        le = jnp.where(u <= np.float32(k), 1.0, 0.0)
        cols.append(jnp.sum(le, axis=0, keepdims=True))
    acc_scr[...] += jnp.concatenate(cols, axis=0)

    @pl.when(j == NCHUNK - 1)
    def _():
        pos = acc_scr[...]
        pos = jnp.where(pos == np.float32(N), pos[0:1, :], pos)
        o_ref[0] = pos.astype(jnp.int32) + b * N


def _ballq(x, xst):
    return pl.pallas_call(
        _ballq_body,
        grid=(B, NCHUNK),
        in_specs=[pl.BlockSpec((1, 128, 3), lambda b, j: (b, j, 0)),
                  pl.BlockSpec((1, 3, S), lambda b, j: (b, 0, 0))],
        out_specs=pl.BlockSpec((1, K, S), lambda b, j: (b, 0, 0)),
        out_shape=jax.ShapeDtypeStruct((B, K, S), jnp.int32),
        scratch_shapes=[pltpu.VMEM((1, S), jnp.float32),
                        pltpu.VMEM((K, S), jnp.float32)],
    )(x, xst)


try:
    _info = plsc.get_sparse_core_info()
    _NC, _NS = _info.num_cores, _info.num_subcores
except Exception:
    _NC, _NS = 2, 16
_NW = _NC * _NS
_FG_PW = (B * S * K) // _NW
_FS_PW = (B * S) // _NW
_CH = 128
_NIT = _FG_PW // _CH


def _sc_gather(emb, xplanes, gidx, fgidx):
    mesh = plsc.VectorSubcoreMesh(core_axis_name="c", subcore_axis_name="s")

    @functools.partial(
        pl.kernel,
        out_type=[jax.ShapeDtypeStruct((B * S * K, DOUT), jnp.float32),
                  jax.ShapeDtypeStruct((3 * B * S * K,), jnp.float32),
                  jax.ShapeDtypeStruct((B * S, DOUT), jnp.float32)],
        mesh=mesh,
        compiler_params=pltpu.CompilerParams(needs_layout_passes=False),
        scratch_types=[pltpu.VMEM((_FG_PW,), jnp.int32),
                       pltpu.VMEM((_CH, DOUT), jnp.float32),
                       pltpu.VMEM((_CH, DOUT), jnp.float32),
                       pltpu.VMEM((N,), jnp.float32),
                       pltpu.VMEM((N,), jnp.float32),
                       pltpu.VMEM((N,), jnp.float32),
                       pltpu.VMEM((_FG_PW,), jnp.float32),
                       pltpu.VMEM((_FG_PW,), jnp.float32),
                       pltpu.VMEM((_FG_PW,), jnp.float32),
                       pltpu.VMEM((_FS_PW,), jnp.int32),
                       pltpu.SemaphoreType.DMA,
                       pltpu.SemaphoreType.DMA],
    )
    def k(emb_hbm, xpl_hbm, gidx_hbm, fgidx_hbm, fg_hbm, xg_hbm, fs_hbm,
          idx_v, rows_a, rows_b, xt0, xt1, xt2, xo0, xo1, xo2, fidx_v,
          sem_a, sem_b):
        wid = lax.axis_index("s") * _NC + lax.axis_index("c")
        base = wid * _FG_PW
        b = wid // (_NW // B)
        pltpu.sync_copy(gidx_hbm.at[pl.ds(base, _FG_PW)], idx_v)

        xtabs = (xt0, xt1, xt2)
        xouts = (xo0, xo1, xo2)
        for p in range(3):
            pltpu.sync_copy(xpl_hbm.at[pl.ds((p * B + b) * N, N)], xtabs[p])

        def fg_start(j, buf, sem):
            pltpu.async_copy(emb_hbm.at[idx_v.at[pl.ds(j * _CH, _CH)]], buf,
                             sem)

        fg_start(0, rows_a, sem_a)

        def fg_pair(i, _):
            j0 = i * 2
            fg_start(j0 + 1, rows_b, sem_b)
            pltpu.make_async_copy(emb_hbm.at[idx_v.at[pl.ds(0, _CH)]], rows_a,
                                  sem_a).wait()
            pltpu.sync_copy(rows_a, fg_hbm.at[pl.ds(base + j0 * _CH, _CH)])

            @pl.when(i < _NIT // 2 - 1)
            def _():
                fg_start(j0 + 2, rows_a, sem_a)

            pltpu.make_async_copy(emb_hbm.at[idx_v.at[pl.ds(0, _CH)]], rows_b,
                                  sem_b).wait()
            pltpu.sync_copy(rows_b, fg_hbm.at[pl.ds(base + (j0 + 1) * _CH,
                                                    _CH)])
            return 0

        lax.fori_loop(0, _NIT // 2, fg_pair, 0)

        boff = b * N

        def xg_step(i, _):
            ids = idx_v[pl.ds(i * 16, 16)] - boff
            for p in range(3):
                xouts[p][pl.ds(i * 16, 16)] = plsc.load_gather(xtabs[p], [ids])
            return 0

        lax.fori_loop(0, _FG_PW // 16, xg_step, 0)
        for p in range(3):
            pltpu.sync_copy(xouts[p],
                            xg_hbm.at[pl.ds(p * (B * S * K) + base, _FG_PW)])

        fbase = wid * _FS_PW
        pltpu.sync_copy(fgidx_hbm.at[pl.ds(fbase, _FS_PW)], fidx_v)
        pltpu.async_copy(emb_hbm.at[fidx_v], rows_a, sem_a).wait()
        pltpu.sync_copy(rows_a, fs_hbm.at[pl.ds(fbase, _FS_PW)])

    return k(emb, xplanes, gidx, fgidx)


def kernel(x, f, W1, b1, g1, be1, W2, b2, g2, be2):
    xt3 = jnp.transpose(x, (2, 0, 1))
    xt = jnp.transpose(x, (0, 2, 1))

    s1 = g1 * INV_SQRT
    s2 = g2 * INV_SQRT
    w1s = (W1 * s1[:, None]).T
    b1s = (b1 * s1 + be1)[None, :]
    w2s = (W2 * s2[:, None]).T
    b2s = (b2 * s2 + be2)[None, :]

    emb = _embed(f.reshape(B * N, DIN), w1s, b1s, w2s, b2s)

    xs_t, fps_gidx = _fps(xt3)
    xs = jnp.transpose(xs_t, (1, 2, 0))

    xst = jnp.transpose(xs, (0, 2, 1))
    gidx = jnp.transpose(_ballq(x, xst), (0, 2, 1))

    fg_flat, xg_pl, fs_flat = _sc_gather(
        emb, xt3.reshape(3 * B * N), gidx.reshape(B * S * K),
        fps_gidx.reshape(B * S))

    xg = jnp.transpose(xg_pl.reshape(3, B * S * K), (1, 0)).reshape(B, S, K, 3)
    fg = fg_flat.reshape(B, S, K, DOUT)
    fs = fs_flat.reshape(B, S, DOUT)
    return (xg, fg, xs, fs)

# --- scband reference (transcript-rebuilt; emitter-appended) ---
"""Pipeline reference for scband-point-embeddingand-group-5549097746760 (READ-ONLY COPY).

The authoritative reference and input builder live on the scoring server;
editing this copy changes nothing except your own understanding.
"""

import jax, jax.numpy as jnp
import numpy as np

NPOINT = 512
RADIUS = 0.2
NSAMPLE = 32
BN_EPS = 1e-5


def index_points(points, idx):
    # points: [B, N, C]; idx: [B, S] or [B, S, K] int -> gathered [B, S(, K), C]
    B = points.shape[0]
    batch = jnp.arange(B).reshape((B,) + (1,) * (idx.ndim - 1))
    return points[batch, idx]


def square_distance(src, dst):
    # src: [B, S, 3], dst: [B, N, 3] -> [B, S, N]
    d = -2.0 * jnp.einsum('bsc,bnc->bsn', src, dst)
    d = d + jnp.sum(src ** 2, axis=-1)[:, :, None]
    d = d + jnp.sum(dst ** 2, axis=-1)[:, None, :]
    return d


def farthest_point_sample(xyz, npoint):
    # xyz: [B, N, 3] -> [B, npoint] int32 (deterministic start at index 0)
    B, N, _ = xyz.shape

    def body(i, state):
        centroids, distance, farthest = state
        centroids = centroids.at[:, i].set(farthest)
        centroid = jnp.take_along_axis(xyz, farthest[:, None, None], axis=1)  # [B,1,3]
        dist = jnp.sum((xyz - centroid) ** 2, axis=-1)  # [B,N]
        distance = jnp.minimum(distance, dist)
        farthest = jnp.argmax(distance, axis=-1).astype(jnp.int32)
        return (centroids, distance, farthest)

    centroids = jnp.zeros((B, npoint), dtype=jnp.int32)
    distance = jnp.full((B, N), 1e10, dtype=xyz.dtype)
    farthest = jnp.zeros((B,), dtype=jnp.int32)
    centroids, _, _ = jax.lax.fori_loop(0, npoint, body, (centroids, distance, farthest))
    return centroids


def query_ball_point(radius, nsample, xyz, new_xyz):
    # xyz: [B, N, 3]; new_xyz: [B, S, 3] -> [B, S, nsample] int32
    B, N, _ = xyz.shape
    S = new_xyz.shape[1]
    sqrdists = square_distance(new_xyz, xyz)  # [B, S, N]
    group_idx = jnp.broadcast_to(jnp.arange(N, dtype=jnp.int32), (B, S, N))
    group_idx = jnp.where(sqrdists > radius ** 2, jnp.int32(N), group_idx)
    group_idx = jnp.sort(group_idx, axis=-1)[:, :, :nsample]
    group_first = jnp.broadcast_to(group_idx[:, :, 0:1], group_idx.shape)
    group_idx = jnp.where(group_idx == N, group_first, group_idx)
    return group_idx


def mlp_embed(f, W1, b1, g1, be1, W2, b2, g2, be2):
    # K_MLP_Layer: per-point 1x1 conv + BN(eval: running_mean=0, running_var=1) + ReLU
    h = jnp.einsum('bnc,dc->bnd', f, W1) + b1
    h = g1 * (h / jnp.sqrt(1.0 + BN_EPS)) + be1
    h = jax.nn.relu(h)
    h = jnp.einsum('bnc,dc->bnd', h, W2) + b2
    h = g2 * (h / jnp.sqrt(1.0 + BN_EPS)) + be2
    h = jax.nn.relu(h)
    return h


def setup_inputs(seed: int = 0):
    key = jax.random.key(seed)
    ks = jax.random.split(key, 4)
    B, N, dim_in = 8, 4096, 128
    x = jax.random.uniform(ks[0], (B, N, 3), dtype=jnp.float32)
    f = jax.random.normal(ks[1], (B, N, dim_in), dtype=jnp.float32)
    W1 = jax.random.normal(ks[2], (128, dim_in), dtype=jnp.float32) * 0.05
    b1 = jnp.zeros((128,), jnp.float32)
    g1 = jnp.ones((128,), jnp.float32)
    be1 = jnp.zeros((128,), jnp.float32)
    W2 = jax.random.normal(ks[3], (256, 128), dtype=jnp.float32) * 0.05
    b2 = jnp.zeros((256,), jnp.float32)
    g2 = jnp.ones((256,), jnp.float32)
    be2 = jnp.zeros((256,), jnp.float32)
    return {"x": x, "f": f, "W1": W1, "b1": b1, "g1": g1, "be1": be1,
            "W2": W2, "b2": b2, "g2": g2, "be2": be2}


def reference(x, f, W1, b1, g1, be1, W2, b2, g2, be2):
    embed = mlp_embed(f, W1, b1, g1, be1, W2, b2, g2, be2)  # [B, N, 256]
    x_sg = jax.lax.stop_gradient(x)  # indices are non-differentiable
    fps_idx = farthest_point_sample(x_sg, NPOINT)  # [B, S]
    xs = index_points(x, fps_idx)  # [B, S, 3]
    idx = query_ball_point(RADIUS, NSAMPLE, x_sg, jax.lax.stop_gradient(xs))  # [B, S, K]
    xg = index_points(x, idx)  # [B, S, K, 3]
    fg = index_points(embed, idx)  # [B, S, K, 256]
    fs = index_points(embed, fps_idx)  # [B, S, 256]
    return (xg, fg, xs, fs)

if __name__ == "__main__":
    import jax
    _d = setup_inputs()
    print(jax.jit(kernel)(*tuple(_d.values())))

</pallas_src>

<mosaic_0001>
#map = affine_map<(d0, d1) -> (0, 0)>
#map1 = affine_map<(d0, d1) -> (0)>
module attributes {stable_mosaic.version = 14 : i64} {
  func.func @k(%arg0: i32, %arg1: i32, %arg2: memref<32768x256xf32, #tpu.memory_space<hbm>>, %arg3: memref<98304xf32, #tpu.memory_space<hbm>>, %arg4: memref<131072xi32, #tpu.memory_space<hbm>>, %arg5: memref<4096xi32, #tpu.memory_space<hbm>>, %arg6: memref<131072x256xf32, #tpu.memory_space<hbm>>, %arg7: memref<393216xf32, #tpu.memory_space<hbm>>, %arg8: memref<4096x256xf32, #tpu.memory_space<hbm>>, %arg9: memref<4096xi32, #tpu.memory_space<vmem>>, %arg10: memref<128x256xf32, #tpu.memory_space<vmem>>, %arg11: memref<128x256xf32, #tpu.memory_space<vmem>>, %arg12: memref<4096xf32, #tpu.memory_space<vmem>>, %arg13: memref<4096xf32, #tpu.memory_space<vmem>>, %arg14: memref<4096xf32, #tpu.memory_space<vmem>>, %arg15: memref<4096xf32, #tpu.memory_space<vmem>>, %arg16: memref<4096xf32, #tpu.memory_space<vmem>>, %arg17: memref<4096xf32, #tpu.memory_space<vmem>>, %arg18: memref<128xi32, #tpu.memory_space<vmem>>, %arg19: memref<!tpu.dma_semaphore, #tpu.memory_space<semaphore_mem>>, %arg20: memref<!tpu.dma_semaphore, #tpu.memory_space<semaphore_mem>>) attributes {dimension_semantics = [#tpu.dimension_semantics<core_parallel>, #tpu.dimension_semantics<subcore_parallel>], iteration_bounds = array<i64: 2, 16>, scalar_prefetch = 0 : i64, scratch_operands = 12 : i64, tpu.core_type = #tpu.core_type<sc_vector_subcore>, window_params = [{transform_indices = #map}, {transform_indices = #map1}, {transform_indices = #map1}, {transform_indices = #map1}, {transform_indices = #map}, {transform_indices = #map1}, {transform_indices = #map}]} {
    %mul3A = arith.constant 2 : i32
    %mul3A_0 = arith.muli %arg1, %mul3A : i32
    %add3A = arith.addi %mul3A_0, %arg0 : i32
    %mul3A_1 = arith.constant 4096 : i32
    %mul3A_2 = arith.muli %add3A, %mul3A_1 : i32
    %jit3A = arith.constant 4 : i32
    %div3A = arith.divsi %add3A, %jit3A : i32
    %sign3A = arith.constant 0 : i32
    %sign3A_3 = arith.cmpi sgt, %add3A, %sign3A : i32
    %sign3A_4 = arith.extui %sign3A_3 : i1 to i32
    %sign3A_5 = arith.constant 0 : i32
    %sign3A_6 = arith.cmpi slt, %add3A, %sign3A_5 : i32
    %sign3A_7 = arith.extui %sign3A_6 : i1 to i32
    %sign3A_8 = arith.subi %sign3A_4, %sign3A_7 : i32
    %sign3A_9 = arith.constant 0 : i32
    %sign3A_10 = arith.cmpi sgt, %jit3A, %sign3A_9 : i32
    %sign3A_11 = arith.extui %sign3A_10 : i1 to i32
    %sign3A_12 = arith.constant 0 : i32
    %sign3A_13 = arith.cmpi slt, %jit3A, %sign3A_12 : i32
    %sign3A_14 = arith.extui %sign3A_13 : i1 to i32
    %sign3A_15 = arith.subi %sign3A_11, %sign3A_14 : i32
    %ne3A = arith.cmpi ne, %sign3A_8, %sign3A_15 : i32
    %rem3A = arith.remsi %add3A, %jit3A : i32
    %ne3A_16 = arith.constant 0 : i32
    %ne3A_17 = arith.cmpi ne, %rem3A, %ne3A_16 : i32
    %and3A = arith.andi %ne3A, %ne3A_17 : i1
    %sub3A = arith.constant 1 : i32
    %sub3A_18 = arith.subi %div3A, %sub3A : i32
    %select_n3A = arith.select %and3A, %sub3A_18, %div3A : i32
    "tpu.region"() ({
      %run_scoped3A = tpu.sem_alloc : memref<!tpu.dma_semaphore, #tpu.memory_space<semaphore_mem>>
      %dma_start3A_63 = tpu.memref_slice %arg4[%mul3A_2] : memref<131072xi32, #tpu.memory_space<hbm>> -> memref<4096xi32, #tpu.memory_space<hbm>>
      %dma_start3A_64 = tpu.memref_slice %arg4[%mul3A_2] : memref<131072xi32, #tpu.memory_space<hbm>> -> memref<4096xi32, #tpu.memory_space<hbm>>
      tpu.enqueue_dma source(%dma_start3A_64 : memref<4096xi32, #tpu.memory_space<hbm>>) target(%arg9 : memref<4096xi32, #tpu.memory_space<vmem>>) target_semaphore(%run_scoped3A : memref<!tpu.dma_semaphore, #tpu.memory_space<semaphore_mem>>)
      %dma_wait3A_65 = tpu.memref_slice %arg4[%mul3A_2] : memref<131072xi32, #tpu.memory_space<hbm>> -> memref<4096xi32, #tpu.memory_space<hbm>>
      %dma_wait3A_66 = tpu.memref_slice %arg4[%mul3A_2] : memref<131072xi32, #tpu.memory_space<hbm>> -> memref<4096xi32, #tpu.memory_space<hbm>>
      tpu.wait_dma2 semaphore(%run_scoped3A : memref<!tpu.dma_semaphore, #tpu.memory_space<semaphore_mem>>) src(%dma_wait3A_66 : memref<4096xi32, #tpu.memory_space<hbm>>) dst(%arg9 : memref<4096xi32, #tpu.memory_space<vmem>>)
      tpu.yield
    }) : () -> ()
    %add3A_19 = arith.constant 0 : i32
    %add3A_20 = arith.addi %add3A_19, %select_n3A : i32
    %mul3A_21 = arith.constant 4096 : i32
    %mul3A_22 = arith.muli %add3A_20, %mul3A_21 : i32
    "tpu.region"() ({
      %run_scoped3A = tpu.sem_alloc : memref<!tpu.dma_semaphore, #tpu.memory_space<semaphore_mem>>
      %dma_start3A_63 = tpu.memref_slice %arg3[%mul3A_22] : memref<98304xf32, #tpu.memory_space<hbm>> -> memref<4096xf32, #tpu.memory_space<hbm>>
      %dma_start3A_64 = tpu.memref_slice %arg3[%mul3A_22] : memref<98304xf32, #tpu.memory_space<hbm>> -> memref<4096xf32, #tpu.memory_space<hbm>>
      tpu.enqueue_dma source(%dma_start3A_64 : memref<4096xf32, #tpu.memory_space<hbm>>) target(%arg12 : memref<4096xf32, #tpu.memory_space<vmem>>) target_semaphore(%run_scoped3A : memref<!tpu.dma_semaphore, #tpu.memory_space<semaphore_mem>>)
      %dma_wait3A_65 = tpu.memref_slice %arg3[%mul3A_22] : memref<98304xf32, #tpu.memory_space<hbm>> -> memref<4096xf32, #tpu.memory_space<hbm>>
      %dma_wait3A_66 = tpu.memref_slice %arg3[%mul3A_22] : memref<98304xf32, #tpu.memory_space<hbm>> -> memref<4096xf32, #tpu.memory_space<hbm>>
      tpu.wait_dma2 semaphore(%run_scoped3A : memref<!tpu.dma_semaphore, #tpu.memory_space<semaphore_mem>>) src(%dma_wait3A_66 : memref<4096xf32, #tpu.memory_space<hbm>>) dst(%arg12 : memref<4096xf32, #tpu.memory_space<vmem>>)
      tpu.yield
    }) : () -> ()
    %add3A_23 = arith.constant 8 : i32
    %add3A_24 = arith.addi %add3A_23, %select_n3A : i32
    %mul3A_25 = arith.constant 4096 : i32
    %mul3A_26 = arith.muli %add3A_24, %mul3A_25 : i32
    "tpu.region"() ({
      %run_scoped3A = tpu.sem_alloc : memref<!tpu.dma_semaphore, #tpu.memory_space<semaphore_mem>>
      %dma_start3A_63 = tpu.memref_slice %arg3[%mul3A_26] : memref<98304xf32, #tpu.memory_space<hbm>> -> memref<4096xf32, #tpu.memory_space<hbm>>
      %dma_start3A_64 = tpu.memref_slice %arg3[%mul3A_26] : memref<98304xf32, #tpu.memory_space<hbm>> -> memref<4096xf32, #tpu.memory_space<hbm>>
      tpu.enqueue_dma source(%dma_start3A_64 : memref<4096xf32, #tpu.memory_space<hbm>>) target(%arg13 : memref<4096xf32, #tpu.memory_space<vmem>>) target_semaphore(%run_scoped3A : memref<!tpu.dma_semaphore, #tpu.memory_space<semaphore_mem>>)
      %dma_wait3A_65 = tpu.memref_slice %arg3[%mul3A_26] : memref<98304xf32, #tpu.memory_space<hbm>> -> memref<4096xf32, #tpu.memory_space<hbm>>
      %dma_wait3A_66 = tpu.memref_slice %arg3[%mul3A_26] : memref<98304xf32, #tpu.memory_space<hbm>> -> memref<4096xf32, #tpu.memory_space<hbm>>
      tpu.wait_dma2 semaphore(%run_scoped3A : memref<!tpu.dma_semaphore, #tpu.memory_space<semaphore_mem>>) src(%dma_wait3A_66 : memref<4096xf32, #tpu.memory_space<hbm>>) dst(%arg13 : memref<4096xf32, #tpu.memory_space<vmem>>)
      tpu.yield
    }) : () -> ()
    %add3A_27 = arith.constant 16 : i32
    %add3A_28 = arith.addi %add3A_27, %select_n3A : i32
    %mul3A_29 = arith.constant 4096 : i32
    %mul3A_30 = arith.muli %add3A_28, %mul3A_29 : i32
    "tpu.region"() ({
      %run_scoped3A = tpu.sem_alloc : memref<!tpu.dma_semaphore, #tpu.memory_space<semaphore_mem>>
      %dma_start3A_63 = tpu.memref_slice %arg3[%mul3A_30] : memref<98304xf32, #tpu.memory_space<hbm>> -> memref<4096xf32, #tpu.memory_space<hbm>>
      %dma_start3A_64 = tpu.memref_slice %arg3[%mul3A_30] : memref<98304xf32, #tpu.memory_space<hbm>> -> memref<4096xf32, #tpu.memory_space<hbm>>
      tpu.enqueue_dma source(%dma_start3A_64 : memref<4096xf32, #tpu.memory_space<hbm>>) target(%arg14 : memref<4096xf32, #tpu.memory_space<vmem>>) target_semaphore(%run_scoped3A : memref<!tpu.dma_semaphore, #tpu.memory_space<semaphore_mem>>)
      %dma_wait3A_65 = tpu.memref_slice %arg3[%mul3A_30] : memref<98304xf32, #tpu.memory_space<hbm>> -> memref<4096xf32, #tpu.memory_space<hbm>>
      %dma_wait3A_66 = tpu.memref_slice %arg3[%mul3A_30] : memref<98304xf32, #tpu.memory_space<hbm>> -> memref<4096xf32, #tpu.memory_space<hbm>>
      tpu.wait_dma2 semaphore(%run_scoped3A : memref<!tpu.dma_semaphore, #tpu.memory_space<semaphore_mem>>) src(%dma_wait3A_66 : memref<4096xf32, #tpu.memory_space<hbm>>) dst(%arg14 : memref<4096xf32, #tpu.memory_space<vmem>>)
      tpu.yield
    }) : () -> ()
    %dma_start3A = arith.constant 0 : i32
    %dma_start3A_31 = tpu.memref_slice %arg9[%dma_start3A] : memref<4096xi32, #tpu.memory_space<vmem>> -> memref<128xi32, #tpu.memory_space<vmem>>
    %dma_start3A_32 = arith.constant 0 : i32
    %dma_start3A_33 = arith.constant 0 : i32
    %dma_start3A_34 = tpu.memref_slice %arg2[%dma_start3A_32, %dma_start3A_33] : memref<32768x256xf32, #tpu.memory_space<hbm>> -> memref<32768x256xf32, #tpu.memory_space<hbm>>
    tpu.enqueue_indirect_dma source(%dma_start3A_34 : memref<32768x256xf32, #tpu.memory_space<hbm>>) target(%arg10 : memref<128x256xf32, #tpu.memory_space<vmem>>) offsets(%dma_start3A_31 : memref<128xi32, #tpu.memory_space<vmem>>) semaphore(%arg19 : memref<!tpu.dma_semaphore, #tpu.memory_space<semaphore_mem>>)
    %scan3A = arith.constant 0 : i32
    %scan3A_35 = arith.constant 0 : i32
    %scan3A_36 = arith.constant 16 : i32
    %scan3A_37 = arith.addi %scan3A_35, %scan3A_36 : i32
    %scan3A_38 = arith.constant 1 : i32
    %scan3A_39 = scf.for %scan3A_63 = %scan3A_35 to %scan3A_37 step %scan3A_38 iter_args(%scan3A_64 = %scan3A) -> (i32)  : i32 {
      %mul3A_65 = arith.constant 2 : i32
      %mul3A_66 = arith.muli %scan3A_63, %mul3A_65 : i32
      %add3A_67 = arith.constant 1 : i32
      %add3A_68 = arith.addi %mul3A_66, %add3A_67 : i32
      %mul3A_69 = arith.constant 128 : i32
      %mul3A_70 = arith.muli %add3A_68, %mul3A_69 : i32
      %dma_start3A_71 = tpu.memref_slice %arg9[%mul3A_70] : memref<4096xi32, #tpu.memory_space<vmem>> -> memref<128xi32, #tpu.memory_space<vmem>>
      %dma_start3A_72 = arith.constant 0 : i32
      %dma_start3A_73 = arith.constant 0 : i32
      %dma_start3A_74 = tpu.memref_slice %arg2[%dma_start3A_72, %dma_start3A_73] : memref<32768x256xf32, #tpu.memory_space<hbm>> -> memref<32768x256xf32, #tpu.memory_space<hbm>>
      tpu.enqueue_indirect_dma source(%dma_start3A_74 : memref<32768x256xf32, #tpu.memory_space<hbm>>) target(%arg11 : memref<128x256xf32, #tpu.memory_space<vmem>>) offsets(%dma_start3A_71 : memref<128xi32, #tpu.memory_space<vmem>>) semaphore(%arg20 : memref<!tpu.dma_semaphore, #tpu.memory_space<semaphore_mem>>)
      %dma_wait3A_75 = arith.constant 0 : i32
      %dma_wait3A_76 = tpu.memref_slice %arg9[%dma_wait3A_75] : memref<4096xi32, #tpu.memory_space<vmem>> -> memref<128xi32, #tpu.memory_space<vmem>>
      %dma_wait3A_77 = arith.constant 0 : i32
      %dma_wait3A_78 = arith.constant 0 : i32
      %dma_wait3A_79 = tpu.memref_slice %arg2[%dma_wait3A_77, %dma_wait3A_78] : memref<32768x256xf32, #tpu.memory_space<hbm>> -> memref<32768x256xf32, #tpu.memory_space<hbm>>
      tpu.wait_indirect_dma semaphore(%arg19 : memref<!tpu.dma_semaphore, #tpu.memory_space<semaphore_mem>>) src(%dma_wait3A_79 : memref<32768x256xf32, #tpu.memory_space<hbm>>) dst(%arg10 : memref<128x256xf32, #tpu.memory_space<vmem>>)
      %mul3A_80 = arith.constant 128 : i32
      %mul3A_81 = arith.muli %mul3A_66, %mul3A_80 : i32
      %add3A_82 = arith.addi %mul3A_2, %mul3A_81 : i32
      "tpu.region"() ({
        %run_scoped3A = tpu.sem_alloc : memref<!tpu.dma_semaphore, #tpu.memory_space<semaphore_mem>>
        %dma_start3A_96 = arith.constant 0 : i32
        %dma_start3A_97 = tpu.memref_slice %arg6[%add3A_82, %dma_start3A_96] : memref<131072x256xf32, #tpu.memory_space<hbm>> -> memref<128x256xf32, #tpu.memory_space<hbm>>
        %dma_start3A_98 = arith.constant 0 : i32
        %dma_start3A_99 = tpu.memref_slice %arg6[%add3A_82, %dma_start3A_98] : memref<131072x256xf32, #tpu.memory_space<hbm>> -> memref<128x256xf32, #tpu.memory_space<hbm>>
        tpu.enqueue_dma source(%arg10 : memref<128x256xf32, #tpu.memory_space<vmem>>) target(%dma_start3A_99 : memref<128x256xf32, #tpu.memory_space<hbm>>) target_semaphore(%run_scoped3A : memref<!tpu.dma_semaphore, #tpu.memory_space<semaphore_mem>>)
        %dma_wait3A_100 = arith.constant 0 : i32
        %dma_wait3A_101 = tpu.memref_slice %arg6[%add3A_82, %dma_wait3A_100] : memref<131072x256xf32, #tpu.memory_space<hbm>> -> memref<128x256xf32, #tpu.memory_space<hbm>>
        %dma_wait3A_102 = arith.constant 0 : i32
        %dma_wait3A_103 = tpu.memref_slice %arg6[%add3A_82, %dma_wait3A_102] : memref<131072x256xf32, #tpu.memory_space<hbm>> -> memref<128x256xf32, #tpu.memory_space<hbm>>
        tpu.wait_dma2 semaphore(%run_scoped3A : memref<!tpu.dma_semaphore, #tpu.memory_space<semaphore_mem>>) src(%arg10 : memref<128x256xf32, #tpu.memory_space<vmem>>) dst(%dma_wait3A_103 : memref<128x256xf32, #tpu.memory_space<hbm>>)
        tpu.yield
      }) : () -> ()
      %lt3A = arith.constant 15 : i32
      %lt3A_83 = arith.cmpi slt, %scan3A_63, %lt3A : i32
      %convert_element_type3A = arith.extui %lt3A_83 : i1 to i32
      %cond3A = arith.constant 0 : i32
      %cond3A_84 = arith.cmpi ne, %convert_element_type3A, %cond3A : i32
      scf.if %cond3A_84 {
        %add3A_96 = arith.constant 2 : i32
        %add3A_97 = arith.addi %mul3A_66, %add3A_96 : i32
        %mul3A_98 = arith.constant 128 : i32
        %mul3A_99 = arith.muli %add3A_97, %mul3A_98 : i32
        %dma_start3A_100 = tpu.memref_slice %arg9[%mul3A_99] : memref<4096xi32, #tpu.memory_space<vmem>> -> memref<128xi32, #tpu.memory_space<vmem>>
        %dma_start3A_101 = arith.constant 0 : i32
        %dma_start3A_102 = arith.constant 0 : i32
        %dma_start3A_103 = tpu.memref_slice %arg2[%dma_start3A_101, %dma_start3A_102] : memref<32768x256xf32, #tpu.memory_space<hbm>> -> memref<32768x256xf32, #tpu.memory_space<hbm>>
        tpu.enqueue_indirect_dma source(%dma_start3A_103 : memref<32768x256xf32, #tpu.memory_space<hbm>>) target(%arg10 : memref<128x256xf32, #tpu.memory_space<vmem>>) offsets(%dma_start3A_100 : memref<128xi32, #tpu.memory_space<vmem>>) semaphore(%arg19 : memref<!tpu.dma_semaphore, #tpu.memory_space<semaphore_mem>>)
      } else {
      }
      %dma_wait3A_85 = arith.constant 0 : i32
      %dma_wait3A_86 = tpu.memref_slice %arg9[%dma_wait3A_85] : memref<4096xi32, #tpu.memory_space<vmem>> -> memref<128xi32, #tpu.memory_space<vmem>>
      %dma_wait3A_87 = arith.constant 0 : i32
      %dma_wait3A_88 = arith.constant 0 : i32
      %dma_wait3A_89 = tpu.memref_slice %arg2[%dma_wait3A_87, %dma_wait3A_88] : memref<32768x256xf32, #tpu.memory_space<hbm>> -> memref<32768x256xf32, #tpu.memory_space<hbm>>
      tpu.wait_indirect_dma semaphore(%arg20 : memref<!tpu.dma_semaphore, #tpu.memory_space<semaphore_mem>>) src(%dma_wait3A_89 : memref<32768x256xf32, #tpu.memory_space<hbm>>) dst(%arg11 : memref<128x256xf32, #tpu.memory_space<vmem>>)
      %add3A_90 = arith.constant 1 : i32
      %add3A_91 = arith.addi %mul3A_66, %add3A_90 : i32
      %mul3A_92 = arith.constant 128 : i32
      %mul3A_93 = arith.muli %add3A_91, %mul3A_92 : i32
      %add3A_94 = arith.addi %mul3A_2, %mul3A_93 : i32
      "tpu.region"() ({
        %run_scoped3A = tpu.sem_alloc : memref<!tpu.dma_semaphore, #tpu.memory_space<semaphore_mem>>
        %dma_start3A_96 = arith.constant 0 : i32
        %dma_start3A_97 = tpu.memref_slice %arg6[%add3A_94, %dma_start3A_96] : memref<131072x256xf32, #tpu.memory_space<hbm>> -> memref<128x256xf32, #tpu.memory_space<hbm>>
        %dma_start3A_98 = arith.constant 0 : i32
        %dma_start3A_99 = tpu.memref_slice %arg6[%add3A_94, %dma_start3A_98] : memref<131072x256xf32, #tpu.memory_space<hbm>> -> memref<128x256xf32, #tpu.memory_space<hbm>>
        tpu.enqueue_dma source(%arg11 : memref<128x256xf32, #tpu.memory_space<vmem>>) target(%dma_start3A_99 : memref<128x256xf32, #tpu.memory_space<hbm>>) target_semaphore(%run_scoped3A : memref<!tpu.dma_semaphore, #tpu.memory_space<semaphore_mem>>)
        %dma_wait3A_100 = arith.constant 0 : i32
        %dma_wait3A_101 = tpu.memref_slice %arg6[%add3A_94, %dma_wait3A_100] : memref<131072x256xf32, #tpu.memory_space<hbm>> -> memref<128x256xf32, #tpu.memory_space<hbm>>
        %dma_wait3A_102 = arith.constant 0 : i32
        %dma_wait3A_103 = tpu.memref_slice %arg6[%add3A_94, %dma_wait3A_102] : memref<131072x256xf32, #tpu.memory_space<hbm>> -> memref<128x256xf32, #tpu.memory_space<hbm>>
        tpu.wait_dma2 semaphore(%run_scoped3A : memref<!tpu.dma_semaphore, #tpu.memory_space<semaphore_mem>>) src(%arg11 : memref<128x256xf32, #tpu.memory_space<vmem>>) dst(%dma_wait3A_103 : memref<128x256xf32, #tpu.memory_space<hbm>>)
        tpu.yield
      }) : () -> ()
      %scan3A_95 = arith.constant 0 : i32
      scf.yield %scan3A_95 : i32
    }
    %scan3A_40 = arith.constant 16 : i32
    %mul3A_41 = arith.constant 4096 : i32
    %mul3A_42 = arith.muli %select_n3A, %mul3A_41 : i32
    %scan3A_43 = arith.constant 0 : i32
    %scan3A_44 = arith.constant 0 : i32
    %scan3A_45 = arith.constant 256 : i32
    %scan3A_46 = arith.addi %scan3A_44, %scan3A_45 : i32
    %scan3A_47 = arith.constant 1 : i32
    %scan3A_48 = scf.for %scan3A_63 = %scan3A_44 to %scan3A_46 step %scan3A_47 iter_args(%scan3A_64 = %scan3A_43) -> (i32)  : i32 {
      %mul3A_65 = arith.constant 16 : i32
      %mul3A_66 = arith.muli %scan3A_63, %mul3A_65 : i32
      %get3A = arith.index_cast %mul3A_66 : i32 to index
      %get3A_67 = tpu.vector_load %arg9[%get3A] {strides = array<i32>} : memref<4096xi32, #tpu.memory_space<vmem>>, vector<16xi32>,
      %sub3A_68 = vector.broadcast %mul3A_42 : i32 to vector<16xi32>
      %sub3A_69 = arith.subi %get3A_67, %sub3A_68 : vector<16xi32>
      %gather3A = tpu.vector_load_idx %arg12[%sub3A_69] : memref<4096xf32, #tpu.memory_space<vmem>>[vector<16xi32>], vector<16xf32>,
      %mul3A_70 = arith.constant 16 : i32
      %mul3A_71 = arith.muli %scan3A_63, %mul3A_70 : i32
      %swap3A = arith.index_cast %mul3A_71 : i32 to index
      %swap3A_72 = tpu.vector_load %arg15[%swap3A] {strides = array<i32>} : memref<4096xf32, #tpu.memory_space<vmem>>, vector<16xf32>,
      tpu.vector_store %arg15[%swap3A], %gather3A {strides = array<i32>} : memref<4096xf32, #tpu.memory_space<vmem>>, vector<16xf32>,
      %gather3A_73 = tpu.vector_load_idx %arg13[%sub3A_69] : memref<4096xf32, #tpu.memory_space<vmem>>[vector<16xi32>], vector<16xf32>,
      %mul3A_74 = arith.constant 16 : i32
      %mul3A_75 = arith.muli %scan3A_63, %mul3A_74 : i32
      %swap3A_76 = arith.index_cast %mul3A_75 : i32 to index
      %swap3A_77 = tpu.vector_load %arg16[%swap3A_76] {strides = array<i32>} : memref<4096xf32, #tpu.memory_space<vmem>>, vector<16xf32>,
      tpu.vector_store %arg16[%swap3A_76], %gather3A_73 {strides = array<i32>} : memref<4096xf32, #tpu.memory_space<vmem>>, vector<16xf32>,
      %gather3A_78 = tpu.vector_load_idx %arg14[%sub3A_69] : memref<4096xf32, #tpu.memory_space<vmem>>[vector<16xi32>], vector<16xf32>,
      %mul3A_79 = arith.constant 16 : i32
      %mul3A_80 = arith.muli %scan3A_63, %mul3A_79 : i32
      %swap3A_81 = arith.index_cast %mul3A_80 : i32 to index
      %swap3A_82 = tpu.vector_load %arg17[%swap3A_81] {strides = array<i32>} : memref<4096xf32, #tpu.memory_space<vmem>>, vector<16xf32>,
      tpu.vector_store %arg17[%swap3A_81], %gather3A_78 {strides = array<i32>} : memref<4096xf32, #tpu.memory_space<vmem>>, vector<16xf32>,
      %scan3A_83 = arith.constant 0 : i32
      scf.yield %scan3A_83 : i32
    }
    %scan3A_49 = arith.constant 256 : i32
    %add3A_50 = arith.constant 0 : i32
    %add3A_51 = arith.addi %add3A_50, %mul3A_2 : i32
    "tpu.region"() ({
      %run_scoped3A = tpu.sem_alloc : memref<!tpu.dma_semaphore, #tpu.memory_space<semaphore_mem>>
      %dma_start3A_63 = tpu.memref_slice %arg7[%add3A_51] : memref<393216xf32, #tpu.memory_space<hbm>> -> memref<4096xf32, #tpu.memory_space<hbm>>
      %dma_start3A_64 = tpu.memref_slice %arg7[%add3A_51] : memref<393216xf32, #tpu.memory_space<hbm>> -> memref<4096xf32, #tpu.memory_space<hbm>>
      tpu.enqueue_dma source(%arg15 : memref<4096xf32, #tpu.memory_space<vmem>>) target(%dma_start3A_64 : memref<4096xf32, #tpu.memory_space<hbm>>) target_semaphore(%run_scoped3A : memref<!tpu.dma_semaphore, #tpu.memory_space<semaphore_mem>>)
      %dma_wait3A_65 = tpu.memref_slice %arg7[%add3A_51] : memref<393216xf32, #tpu.memory_space<hbm>> -> memref<4096xf32, #tpu.memory_space<hbm>>
      %dma_wait3A_66 = tpu.memref_slice %arg7[%add3A_51] : memref<393216xf32, #tpu.memory_space<hbm>> -> memref<4096xf32, #tpu.memory_space<hbm>>
      tpu.wait_dma2 semaphore(%run_scoped3A : memref<!tpu.dma_semaphore, #tpu.memory_space<semaphore_mem>>) src(%arg15 : memref<4096xf32, #tpu.memory_space<vmem>>) dst(%dma_wait3A_66 : memref<4096xf32, #tpu.memory_space<hbm>>)
      tpu.yield
    }) : () -> ()
    %add3A_52 = arith.constant 131072 : i32
    %add3A_53 = arith.addi %add3A_52, %mul3A_2 : i32
    "tpu.region"() ({
      %run_scoped3A = tpu.sem_alloc : memref<!tpu.dma_semaphore, #tpu.memory_space<semaphore_mem>>
      %dma_start3A_63 = tpu.memref_slice %arg7[%add3A_53] : memref<393216xf32, #tpu.memory_space<hbm>> -> memref<4096xf32, #tpu.memory_space<hbm>>
      %dma_start3A_64 = tpu.memref_slice %arg7[%add3A_53] : memref<393216xf32, #tpu.memory_space<hbm>> -> memref<4096xf32, #tpu.memory_space<hbm>>
      tpu.enqueue_dma source(%arg16 : memref<4096xf32, #tpu.memory_space<vmem>>) target(%dma_start3A_64 : memref<4096xf32, #tpu.memory_space<hbm>>) target_semaphore(%run_scoped3A : memref<!tpu.dma_semaphore, #tpu.memory_space<semaphore_mem>>)
      %dma_wait3A_65 = tpu.memref_slice %arg7[%add3A_53] : memref<393216xf32, #tpu.memory_space<hbm>> -> memref<4096xf32, #tpu.memory_space<hbm>>
      %dma_wait3A_66 = tpu.memref_slice %arg7[%add3A_53] : memref<393216xf32, #tpu.memory_space<hbm>> -> memref<4096xf32, #tpu.memory_space<hbm>>
      tpu.wait_dma2 semaphore(%run_scoped3A : memref<!tpu.dma_semaphore, #tpu.memory_space<semaphore_mem>>) src(%arg16 : memref<4096xf32, #tpu.memory_space<vmem>>) dst(%dma_wait3A_66 : memref<4096xf32, #tpu.memory_space<hbm>>)
      tpu.yield
    }) : () -> ()
    %add3A_54 = arith.constant 262144 : i32
    %add3A_55 = arith.addi %add3A_54, %mul3A_2 : i32
    "tpu.region"() ({
      %run_scoped3A = tpu.sem_alloc : memref<!tpu.dma_semaphore, #tpu.memory_space<semaphore_mem>>
      %dma_start3A_63 = tpu.memref_slice %arg7[%add3A_55] : memref<393216xf32, #tpu.memory_space<hbm>> -> memref<4096xf32, #tpu.memory_space<hbm>>
      %dma_start3A_64 = tpu.memref_slice %arg7[%add3A_55] : memref<393216xf32, #tpu.memory_space<hbm>> -> memref<4096xf32, #tpu.memory_space<hbm>>
      tpu.enqueue_dma source(%arg17 : memref<4096xf32, #tpu.memory_space<vmem>>) target(%dma_start3A_64 : memref<4096xf32, #tpu.memory_space<hbm>>) target_semaphore(%run_scoped3A : memref<!tpu.dma_semaphore, #tpu.memory_space<semaphore_mem>>)
      %dma_wait3A_65 = tpu.memref_slice %arg7[%add3A_55] : memref<393216xf32, #tpu.memory_space<hbm>> -> memref<4096xf32, #tpu.memory_space<hbm>>
      %dma_wait3A_66 = tpu.memref_slice %arg7[%add3A_55] : memref<393216xf32, #tpu.memory_space<hbm>> -> memref<4096xf32, #tpu.memory_space<hbm>>
      tpu.wait_dma2 semaphore(%run_scoped3A : memref<!tpu.dma_semaphore, #tpu.memory_space<semaphore_mem>>) src(%arg17 : memref<4096xf32, #tpu.memory_space<vmem>>) dst(%dma_wait3A_66 : memref<4096xf32, #tpu.memory_space<hbm>>)
      tpu.yield
    }) : () -> ()
    %mul3A_56 = arith.constant 128 : i32
    %mul3A_57 = arith.muli %add3A, %mul3A_56 : i32
    "tpu.region"() ({
      %run_scoped3A = tpu.sem_alloc : memref<!tpu.dma_semaphore, #tpu.memory_space<semaphore_mem>>
      %dma_start3A_63 = tpu.memref_slice %arg5[%mul3A_57] : memref<4096xi32, #tpu.memory_space<hbm>> -> memref<128xi32, #tpu.memory_space<hbm>>
      %dma_start3A_64 = tpu.memref_slice %arg5[%mul3A_57] : memref<4096xi32, #tpu.memory_space<hbm>> -> memref<128xi32, #tpu.memory_space<hbm>>
      tpu.enqueue_dma source(%dma_start3A_64 : memref<128xi32, #tpu.memory_space<hbm>>) target(%arg18 : memref<128xi32, #tpu.memory_space<vmem>>) target_semaphore(%run_scoped3A : memref<!tpu.dma_semaphore, #tpu.memory_space<semaphore_mem>>)
      %dma_wait3A_65 = tpu.memref_slice %arg5[%mul3A_57] : memref<4096xi32, #tpu.memory_space<hbm>> -> memref<128xi32, #tpu.memory_space<hbm>>
      %dma_wait3A_66 = tpu.memref_slice %arg5[%mul3A_57] : memref<4096xi32, #tpu.memory_space<hbm>> -> memref<128xi32, #tpu.memory_space<hbm>>
      tpu.wait_dma2 semaphore(%run_scoped3A : memref<!tpu.dma_semaphore, #tpu.memory_space<semaphore_mem>>) src(%dma_wait3A_66 : memref<128xi32, #tpu.memory_space<hbm>>) dst(%arg18 : memref<128xi32, #tpu.memory_space<vmem>>)
      tpu.yield
    }) : () -> ()
    %dma_start3A_58 = arith.constant 0 : i32
    %dma_start3A_59 = arith.constant 0 : i32
    %dma_start3A_60 = tpu.memref_slice %arg2[%dma_start3A_58, %dma_start3A_59] : memref<32768x256xf32, #tpu.memory_space<hbm>> -> memref<32768x256xf32, #tpu.memory_space<hbm>>
    tpu.enqueue_indirect_dma source(%dma_start3A_60 : memref<32768x256xf32, #tpu.memory_space<hbm>>) target(%arg10 : memref<128x256xf32, #tpu.memory_space<vmem>>) offsets(%arg18 : memref<128xi32, #tpu.memory_space<vmem>>) semaphore(%arg19 : memref<!tpu.dma_semaphore, #tpu.memory_space<semaphore_mem>>)
    %dma_wait3A = arith.constant 0 : i32
    %dma_wait3A_61 = arith.constant 0 : i32
    %dma_wait3A_62 = tpu.memref_slice %arg2[%dma_wait3A, %dma_wait3A_61] : memref<32768x256xf32, #tpu.memory_space<hbm>> -> memref<32768x256xf32, #tpu.memory_space<hbm>>
    tpu.wait_indirect_dma semaphore(%arg19 : memref<!tpu.dma_semaphore, #tpu.memory_space<semaphore_mem>>) src(%dma_wait3A_62 : memref<32768x256xf32, #tpu.memory_space<hbm>>) dst(%arg10 : memref<128x256xf32, #tpu.memory_space<vmem>>)
    "tpu.region"() ({
      %run_scoped3A = tpu.sem_alloc : memref<!tpu.dma_semaphore, #tpu.memory_space<semaphore_mem>>
      %dma_start3A_63 = arith.constant 0 : i32
      %dma_start3A_64 = tpu.memref_slice %arg8[%mul3A_57, %dma_start3A_63] : memref<4096x256xf32, #tpu.memory_space<hbm>> -> memref<128x256xf32, #tpu.memory_space<hbm>>
      %dma_start3A_65 = arith.constant 0 : i32
      %dma_start3A_66 = tpu.memref_slice %arg8[%mul3A_57, %dma_start3A_65] : memref<4096x256xf32, #tpu.memory_space<hbm>> -> memref<128x256xf32, #tpu.memory_space<hbm>>
      tpu.enqueue_dma source(%arg10 : memref<128x256xf32, #tpu.memory_space<vmem>>) target(%dma_start3A_66 : memref<128x256xf32, #tpu.memory_space<hbm>>) target_semaphore(%run_scoped3A : memref<!tpu.dma_semaphore, #tpu.memory_space<semaphore_mem>>)
      %dma_wait3A_67 = arith.constant 0 : i32
      %dma_wait3A_68 = tpu.memref_slice %arg8[%mul3A_57, %dma_wait3A_67] : memref<4096x256xf32, #tpu.memory_space<hbm>> -> memref<128x256xf32, #tpu.memory_space<hbm>>
      %dma_wait3A_69 = arith.constant 0 : i32
      %dma_wait3A_70 = tpu.memref_slice %arg8[%mul3A_57, %dma_wait3A_69] : memref<4096x256xf32, #tpu.memory_space<hbm>> -> memref<128x256xf32, #tpu.memory_space<hbm>>
      tpu.wait_dma2 semaphore(%run_scoped3A : memref<!tpu.dma_semaphore, #tpu.memory_space<semaphore_mem>>) src(%arg10 : memref<128x256xf32, #tpu.memory_space<vmem>>) dst(%dma_wait3A_70 : memref<128x256xf32, #tpu.memory_space<hbm>>)
      tpu.yield
    }) : () -> ()
    return
  }
}

module attributes {stable_mosaic.version = 14 : i64} {
  func.func @_fps_body(%arg0: memref<3x8x4096xf32, #tpu.memory_space<vmem>>, %arg1: memref<3x8x512xf32, #tpu.memory_space<vmem>>, %arg2: memref<8x512xi32, #tpu.memory_space<vmem>>, %arg3: memref<8x4096xf32, #tpu.memory_space<vmem>>) attributes {dimension_semantics = [], scalar_prefetch = 0 : i64, scratch_operands = 1 : i64, tpu.core_type = #tpu.core_type<tc>} {
    %get3A = arith.constant 0 : index
    %get3A_0 = arith.constant 0 : index
    %get3A_1 = arith.constant 0 : index
    %get3A_2 = vector.load %arg0[%get3A, %get3A_0, %get3A_1] : memref<3x8x4096xf32, #tpu.memory_space<vmem>>, vector<3x8x4096xf32>
    %iota3A = tpu.iota {dimensions = array<i32: 1>} : vector<8x4096xi32>
    %iota3A_3 = tpu.iota {dimensions = array<i32: 1>} : vector<8x512xi32>
    %iota3A_4 = tpu.iota {dimensions = array<i32: 2>} : vector<3x8x512xi32>
    %iota3A_5 = tpu.iota {dimensions = array<i32: 0>} : vector<8x1xi32>
    %mul3A = arith.constant 4096 : i32
    %mul3A_6 = vector.broadcast %mul3A : i32 to vector<8x1xi32>
    %mul3A_7 = arith.muli %iota3A_5, %mul3A_6 : vector<8x1xi32>
    %broadcast_in_dim3A = arith.constant 1.000000e+10 : f32
    %broadcast_in_dim3A_8 = vector.broadcast %broadcast_in_dim3A : f32 to vector<8x4096xf32>
    %swap3A = arith.constant 0 : index
    %swap3A_9 = arith.constant 0 : index
    %swap3A_10 = vector.load %arg3[%swap3A, %swap3A_9] : memref<8x4096xf32, #tpu.memory_space<vmem>>, vector<8x4096xf32>
    tpu.vector_store %arg3[%swap3A, %swap3A_9], %broadcast_in_dim3A_8 {strides = array<i32>} : memref<8x4096xf32, #tpu.memory_space<vmem>>, vector<8x4096xf32>,
    %broadcast_in_dim3A_11 = arith.constant 0 : i32
    %broadcast_in_dim3A_12 = vector.broadcast %broadcast_in_dim3A_11 : i32 to vector<8x1xi32>
    %scan3A = arith.constant 0 : i32
    %scan3A_13 = arith.constant 512 : i32
    %scan3A_14 = arith.addi %scan3A, %scan3A_13 : i32
    %scan3A_15 = arith.constant 1 : i32
    %scan3A_16 = scf.for %scan3A_18 = %scan3A to %scan3A_14 step %scan3A_15 iter_args(%scan3A_19 = %broadcast_in_dim3A_12) -> (vector<8x1xi32>)  : i32 {
      %eq3A = vector.broadcast %scan3A_18 : i32 to vector<8x512xi32>
      %eq3A_20 = arith.cmpi eq, %iota3A_3, %eq3A : vector<8x512xi32>
      %add3A = arith.addi %scan3A_19, %mul3A_7 : vector<8x1xi32>
      %get3A_21 = arith.constant 0 : index
      %get3A_22 = arith.constant 0 : index
      %get3A_23 = vector.load %arg2[%get3A_21, %get3A_22] : memref<8x512xi32, #tpu.memory_space<vmem>>, vector<8x512xi32>
      %broadcast_in_dim3A_24 = vector.shape_cast %add3A : vector<8x1xi32> to vector<8x1xi32>
      %broadcast_in_dim3A_25 = vector.broadcast %broadcast_in_dim3A_24 : vector<8x1xi32> to vector<8x512xi32>
      %select_n3A = arith.select %eq3A_20, %broadcast_in_dim3A_25, %get3A_23 : vector<8x512xi1>, vector<8x512xi32>
      %swap3A_26 = arith.constant 0 : index
      %swap3A_27 = arith.constant 0 : index
      %swap3A_28 = vector.load %arg2[%swap3A_26, %swap3A_27] : memref<8x512xi32, #tpu.memory_space<vmem>>, vector<8x512xi32>
      tpu.vector_store %arg2[%swap3A_26, %swap3A_27], %select_n3A {strides = array<i32>} : memref<8x512xi32, #tpu.memory_space<vmem>>, vector<8x512xi32>,
      %eq3A_29 = vector.broadcast %scan3A_19 : vector<8x1xi32> to vector<8x4096xi32>
      %eq3A_30 = arith.cmpi eq, %iota3A, %eq3A_29 : vector<8x4096xi32>
      %broadcast_in_dim3A_31 = vector.shape_cast %eq3A_30 : vector<8x4096xi1> to vector<1x8x4096xi1>
      %jit3A = arith.constant 0.000000e+00 : f32
      %broadcast_in_dim3A_32 = vector.shape_cast %broadcast_in_dim3A_31 : vector<1x8x4096xi1> to vector<1x8x4096xi1>
      %broadcast_in_dim3A_33 = vector.broadcast %broadcast_in_dim3A_32 : vector<1x8x4096xi1> to vector<3x8x4096xi1>
      %broadcast_in_dim3A_34 = vector.broadcast %jit3A : f32 to vector<3x8x4096xf32>
      %select_n3A_35 = arith.select %broadcast_in_dim3A_33, %get3A_2, %broadcast_in_dim3A_34 : vector<3x8x4096xi1>, vector<3x8x4096xf32>
      %reduce_sum3A = arith.constant dense<0.000000e+00> : vector<3x8xf32>
      %reduce_sum3A_36 = vector.multi_reduction <add>, %select_n3A_35, %reduce_sum3A [2] : vector<3x8x4096xf32> to vector<3x8xf32>
      %broadcast_in_dim3A_37 = vector.shape_cast %reduce_sum3A_36 : vector<3x8xf32> to vector<3x8x1xf32>
      %eq3A_38 = vector.broadcast %scan3A_18 : i32 to vector<3x8x512xi32>
      %eq3A_39 = arith.cmpi eq, %iota3A_4, %eq3A_38 : vector<3x8x512xi32>
      %get3A_40 = arith.constant 0 : index
      %get3A_41 = arith.constant 0 : index
      %get3A_42 = arith.constant 0 : index
      %get3A_43 = vector.load %arg1[%get3A_40, %get3A_41, %get3A_42] : memref<3x8x512xf32, #tpu.memory_space<vmem>>, vector<3x8x512xf32>
      %broadcast_in_dim3A_44 = vector.shape_cast %broadcast_in_dim3A_37 : vector<3x8x1xf32> to vector<3x8x1xf32>
      %broadcast_in_dim3A_45 = vector.broadcast %broadcast_in_dim3A_44 : vector<3x8x1xf32> to vector<3x8x512xf32>
      %select_n3A_46 = arith.select %eq3A_39, %broadcast_in_dim3A_45, %get3A_43 : vector<3x8x512xi1>, vector<3x8x512xf32>
      %swap3A_47 = arith.constant 0 : index
      %swap3A_48 = arith.constant 0 : index
      %swap3A_49 = arith.constant 0 : index
      %swap3A_50 = vector.load %arg1[%swap3A_47, %swap3A_48, %swap3A_49] : memref<3x8x512xf32, #tpu.memory_space<vmem>>, vector<3x8x512xf32>
      tpu.vector_store %arg1[%swap3A_47, %swap3A_48, %swap3A_49], %select_n3A_46 {strides = array<i32>} : memref<3x8x512xf32, #tpu.memory_space<vmem>>, vector<3x8x512xf32>,
      %sub3A = vector.broadcast %broadcast_in_dim3A_37 : vector<3x8x1xf32> to vector<3x8x4096xf32>
      %sub3A_51 = arith.subf %get3A_2, %sub3A : vector<3x8x4096xf32>
      %mul3A_52 = arith.mulf %sub3A_51, %sub3A_51 : vector<3x8x4096xf32>
      %slice3A = vector.extract_strided_slice %mul3A_52 {offsets = [0, 0, 0], sizes = [1, 8, 4096], strides = [1, 1, 1]} : vector<3x8x4096xf32> to vector<1x8x4096xf32>
      %squeeze3A = vector.shape_cast %slice3A : vector<1x8x4096xf32> to vector<8x4096xf32>
      %slice3A_53 = vector.extract_strided_slice %mul3A_52 {offsets = [1, 0, 0], sizes = [1, 8, 4096], strides = [1, 1, 1]} : vector<3x8x4096xf32> to vector<1x8x4096xf32>
      %squeeze3A_54 = vector.shape_cast %slice3A_53 : vector<1x8x4096xf32> to vector<8x4096xf32>
      %add3A_55 = arith.addf %squeeze3A, %squeeze3A_54 : vector<8x4096xf32>
      %slice3A_56 = vector.extract_strided_slice %mul3A_52 {offsets = [2, 0, 0], sizes = [1, 8, 4096], strides = [1, 1, 1]} : vector<3x8x4096xf32> to vector<1x8x4096xf32>
      %squeeze3A_57 = vector.shape_cast %slice3A_56 : vector<1x8x4096xf32> to vector<8x4096xf32>
      %add3A_58 = arith.addf %add3A_55, %squeeze3A_57 : vector<8x4096xf32>
      %get3A_59 = arith.constant 0 : index
      %get3A_60 = arith.constant 0 : index
      %get3A_61 = vector.load %arg3[%get3A_59, %get3A_60] : memref<8x4096xf32, #tpu.memory_space<vmem>>, vector<8x4096xf32>
      %min3A = arith.minimumf %get3A_61, %add3A_58 : vector<8x4096xf32>
      %swap3A_62 = arith.constant 0 : index
      %swap3A_63 = arith.constant 0 : index
      %swap3A_64 = vector.load %arg3[%swap3A_62, %swap3A_63] : memref<8x4096xf32, #tpu.memory_space<vmem>>, vector<8x4096xf32>
      tpu.vector_store %arg3[%swap3A_62, %swap3A_63], %min3A {strides = array<i32>} : memref<8x4096xf32, #tpu.memory_space<vmem>>, vector<8x4096xf32>,
      %reduce_max3A = arith.constant dense<0xFF800000> : vector<8xf32>
      %reduce_max3A_65 = vector.multi_reduction <maximumf>, %min3A, %reduce_max3A [1] : vector<8x4096xf32> to vector<8xf32>
      %broadcast_in_dim3A_66 = vector.shape_cast %reduce_max3A_65 : vector<8xf32> to vector<8x1xf32>
      %eq3A_67 = vector.broadcast %broadcast_in_dim3A_66 : vector<8x1xf32> to vector<8x4096xf32>
      %eq3A_68 = arith.cmpf oeq, %min3A, %eq3A_67 : vector<8x4096xf32>
      %jit3A_69 = arith.constant 4096 : i32
      %broadcast_in_dim3A_70 = vector.broadcast %jit3A_69 : i32 to vector<8x4096xi32>
      %select_n3A_71 = arith.select %eq3A_68, %iota3A, %broadcast_in_dim3A_70 : vector<8x4096xi1>, vector<8x4096xi32>
      %reduce_min3A = arith.constant dense<2147483647> : vector<8xi32>
      %reduce_min3A_72 = vector.multi_reduction <minsi>, %select_n3A_71, %reduce_min3A [1] : vector<8x4096xi32> to vector<8xi32>
      %broadcast_in_dim3A_73 = vector.shape_cast %reduce_min3A_72 : vector<8xi32> to vector<8x1xi32>
      scf.yield %broadcast_in_dim3A_73 : vector<8x1xi32>
    }
    %scan3A_17 = arith.constant 512 : i32
    return
  }
}

module attributes {stable_mosaic.version = 14 : i64} {
  func.func @_ballq_body(%arg0: i32, %arg1: i32, %arg2: memref<1x128x3xf32, #tpu.memory_space<vmem>>, %arg3: memref<1x3x512xf32, #tpu.memory_space<vmem>>, %arg4: memref<1x32x512xi32, #tpu.memory_space<vmem>>, %arg5: memref<1x512xf32, #tpu.memory_space<vmem>>, %arg6: memref<32x512xf32, #tpu.memory_space<vmem>>) attributes {dimension_semantics = [#tpu.dimension_semantics<arbitrary>, #tpu.dimension_semantics<arbitrary>], iteration_bounds = array<i64: 8, 32>, scalar_prefetch = 0 : i64, scratch_operands = 2 : i64, tpu.core_type = #tpu.core_type<tc>, window_params = [{transform_indices = @transform_0, window_bounds = array<i64: 1, 128, 3>}, {transform_indices = @transform_1, window_bounds = array<i64: 1, 3, 512>}, {transform_indices = @transform_2, window_bounds = array<i64: 1, 32, 512>}]} {
    %eq3A = arith.constant 0 : i32
    %eq3A_0 = arith.cmpi eq, %arg1, %eq3A : i32
    %convert_element_type3A = arith.extui %eq3A_0 : i1 to i32
    %cond3A = arith.constant 0 : i32
    %cond3A_1 = arith.cmpi ne, %convert_element_type3A, %cond3A : i32
    scf.if %cond3A_1 {
      %broadcast_in_dim3A_422 = arith.constant 0.000000e+00 : f32
      %broadcast_in_dim3A_423 = vector.broadcast %broadcast_in_dim3A_422 : f32 to vector<1x512xf32>
      %swap3A_424 = arith.constant 0 : index
      %swap3A_425 = arith.constant 0 : index
      %swap3A_426 = vector.load %arg5[%swap3A_424, %swap3A_425] : memref<1x512xf32, #tpu.memory_space<vmem>>, vector<1x512xf32>
      tpu.vector_store %arg5[%swap3A_424, %swap3A_425], %broadcast_in_dim3A_423 {strides = array<i32>} : memref<1x512xf32, #tpu.memory_space<vmem>>, vector<1x512xf32>,
      %broadcast_in_dim3A_427 = arith.constant 0.000000e+00 : f32
      %broadcast_in_dim3A_428 = vector.broadcast %broadcast_in_dim3A_427 : f32 to vector<32x512xf32>
      %swap3A_429 = arith.constant 0 : index
      %swap3A_430 = arith.constant 0 : index
      %swap3A_431 = vector.load %arg6[%swap3A_429, %swap3A_430] : memref<32x512xf32, #tpu.memory_space<vmem>>, vector<32x512xf32>
      tpu.vector_store %arg6[%swap3A_429, %swap3A_430], %broadcast_in_dim3A_428 {strides = array<i32>} : memref<32x512xf32, #tpu.memory_space<vmem>>, vector<32x512xf32>,
    } else {
    }
    %get3A = arith.constant 0 : index
    %get3A_2 = arith.constant 0 : index
    %get3A_3 = arith.constant 0 : index
    %get3A_4 = vector.load %arg2[%get3A, %get3A_2, %get3A_3] : memref<1x128x3xf32, #tpu.memory_space<vmem>>, vector<1x128x3xf32>
    %get3A_5 = vector.shape_cast %get3A_4 : vector<1x128x3xf32> to vector<128x3xf32>
    %get3A_6 = arith.constant 0 : index
    %get3A_7 = arith.constant 0 : index
    %get3A_8 = arith.constant 0 : index
    %get3A_9 = vector.load %arg3[%get3A_6, %get3A_7, %get3A_8] : memref<1x3x512xf32, #tpu.memory_space<vmem>>, vector<1x3x512xf32>
    %get3A_10 = vector.shape_cast %get3A_9 : vector<1x3x512xf32> to vector<3x512xf32>
    %convert_element_type3A_11 = arith.truncf %get3A_5 : vector<128x3xf32> to vector<128x3xbf16>
    %convert_element_type3A_12 = arith.truncf %get3A_10 : vector<3x512xf32> to vector<3x512xbf16>
    %dot_general3A = arith.constant dense<0.000000e+00> : vector<128x512xf32>
    %dot_general3A_13 = tpu.matmul %convert_element_type3A_11, %convert_element_type3A_12, %dot_general3A {dimension_numbers = #tpu.dot_dimension_numbers<[1], [0], [0], [1], [0, 0, 1, 1], [], []>, transpose_lhs_hint = false} : vector<128x3xbf16>, vector<3x512xbf16>, vector<128x512xf32> -> vector<128x512xf32>
    %slice3A = vector.extract_strided_slice %get3A_10 {offsets = [0, 0], sizes = [1, 512], strides = [1, 1]} : vector<3x512xf32> to vector<1x512xf32>
    %slice3A_14 = vector.extract_strided_slice %get3A_10 {offsets = [0, 0], sizes = [1, 512], strides = [1, 1]} : vector<3x512xf32> to vector<1x512xf32>
    %mul3A = arith.mulf %slice3A, %slice3A_14 : vector<1x512xf32>
    %slice3A_15 = vector.extract_strided_slice %get3A_10 {offsets = [1, 0], sizes = [1, 512], strides = [1, 1]} : vector<3x512xf32> to vector<1x512xf32>
    %slice3A_16 = vector.extract_strided_slice %get3A_10 {offsets = [1, 0], sizes = [1, 512], strides = [1, 1]} : vector<3x512xf32> to vector<1x512xf32>
    %mul3A_17 = arith.mulf %slice3A_15, %slice3A_16 : vector<1x512xf32>
    %add3A = arith.addf %mul3A, %mul3A_17 : vector<1x512xf32>
    %slice3A_18 = vector.extract_strided_slice %get3A_10 {offsets = [2, 0], sizes = [1, 512], strides = [1, 1]} : vector<3x512xf32> to vector<1x512xf32>
    %slice3A_19 = vector.extract_strided_slice %get3A_10 {offsets = [2, 0], sizes = [1, 512], strides = [1, 1]} : vector<3x512xf32> to vector<1x512xf32>
    %mul3A_20 = arith.mulf %slice3A_18, %slice3A_19 : vector<1x512xf32>
    %add3A_21 = arith.addf %add3A, %mul3A_20 : vector<1x512xf32>
    %slice3A_22 = vector.extract_strided_slice %get3A_5 {offsets = [0, 0], sizes = [128, 1], strides = [1, 1]} : vector<128x3xf32> to vector<128x1xf32>
    %slice3A_23 = vector.extract_strided_slice %get3A_5 {offsets = [0, 0], sizes = [128, 1], strides = [1, 1]} : vector<128x3xf32> to vector<128x1xf32>
    %mul3A_24 = arith.mulf %slice3A_22, %slice3A_23 : vector<128x1xf32>
    %slice3A_25 = vector.extract_strided_slice %get3A_5 {offsets = [0, 1], sizes = [128, 1], strides = [1, 1]} : vector<128x3xf32> to vector<128x1xf32>
    %slice3A_26 = vector.extract_strided_slice %get3A_5 {offsets = [0, 1], sizes = [128, 1], strides = [1, 1]} : vector<128x3xf32> to vector<128x1xf32>
    %mul3A_27 = arith.mulf %slice3A_25, %slice3A_26 : vector<128x1xf32>
    %add3A_28 = arith.addf %mul3A_24, %mul3A_27 : vector<128x1xf32>
    %slice3A_29 = vector.extract_strided_slice %get3A_5 {offsets = [0, 2], sizes = [128, 1], strides = [1, 1]} : vector<128x3xf32> to vector<128x1xf32>
    %slice3A_30 = vector.extract_strided_slice %get3A_5 {offsets = [0, 2], sizes = [128, 1], strides = [1, 1]} : vector<128x3xf32> to vector<128x1xf32>
    %mul3A_31 = arith.mulf %slice3A_29, %slice3A_30 : vector<128x1xf32>
    %add3A_32 = arith.addf %add3A_28, %mul3A_31 : vector<128x1xf32>
    %mul3A_33 = arith.constant -2.000000e+00 : f32
    %mul3A_34 = vector.broadcast %mul3A_33 : f32 to vector<128x512xf32>
    %mul3A_35 = arith.mulf %dot_general3A_13, %mul3A_34 : vector<128x512xf32>
    %add3A_36 = vector.broadcast %add3A_21 : vector<1x512xf32> to vector<128x512xf32>
    %add3A_37 = arith.addf %mul3A_35, %add3A_36 : vector<128x512xf32>
    %add3A_38 = vector.broadcast %add3A_32 : vector<128x1xf32> to vector<128x512xf32>
    %add3A_39 = arith.addf %add3A_37, %add3A_38 : vector<128x512xf32>
    %gt3A = arith.constant 4.000000e-02 : f32
    %gt3A_40 = vector.broadcast %gt3A : f32 to vector<128x512xf32>
    %gt3A_41 = arith.cmpf ogt, %add3A_39, %gt3A_40 : vector<128x512xf32>
    %not3A = arith.constant dense<true> : vector<128x512xi1>
    %not3A_42 = arith.xori %gt3A_41, %not3A : vector<128x512xi1>
    %convert_element_type3A_43 = arith.extui %not3A_42 : vector<128x512xi1> to vector<128x512xi32>
    %convert_element_type3A_44 = arith.sitofp %convert_element_type3A_43 : vector<128x512xi32> to vector<128x512xf32>
    %convert_element_type3A_45 = arith.truncf %convert_element_type3A_44 : vector<128x512xf32> to vector<128x512xbf16>
    %iota3A = tpu.iota {dimensions = array<i32: 1>} : vector<128x128xi32>
    %iota3A_46 = tpu.iota {dimensions = array<i32: 0>} : vector<128x128xi32>
    %le3A = arith.cmpi sle, %iota3A, %iota3A_46 : vector<128x128xi32>
    %convert_element_type3A_47 = arith.extui %le3A : vector<128x128xi1> to vector<128x128xi32>
    %convert_element_type3A_48 = arith.sitofp %convert_element_type3A_47 : vector<128x128xi32> to vector<128x128xf32>
    %convert_element_type3A_49 = arith.truncf %convert_element_type3A_48 : vector<128x128xf32> to vector<128x128xbf16>
    %dot_general3A_50 = arith.constant dense<0.000000e+00> : vector<128x512xf32>
    %dot_general3A_51 = tpu.matmul %convert_element_type3A_49, %convert_element_type3A_45, %dot_general3A_50 {dimension_numbers = #tpu.dot_dimension_numbers<[1], [0], [0], [1], [0, 0, 1, 1], [], []>, transpose_lhs_hint = false} : vector<128x128xbf16>, vector<128x512xbf16>, vector<128x512xf32> -> vector<128x512xf32>
    %get3A_52 = arith.constant 0 : index
    %get3A_53 = arith.constant 0 : index
    %get3A_54 = vector.load %arg5[%get3A_52, %get3A_53] : memref<1x512xf32, #tpu.memory_space<vmem>>, vector<1x512xf32>
    %add3A_55 = vector.broadcast %get3A_54 : vector<1x512xf32> to vector<128x512xf32>
    %add3A_56 = arith.addf %dot_general3A_51, %add3A_55 : vector<128x512xf32>
    %slice3A_57 = vector.extract_strided_slice %add3A_56 {offsets = [127, 0], sizes = [1, 512], strides = [1, 1]} : vector<128x512xf32> to vector<1x512xf32>
    %swap3A = arith.constant 0 : index
    %swap3A_58 = arith.constant 0 : index
    %swap3A_59 = vector.load %arg5[%swap3A, %swap3A_58] : memref<1x512xf32, #tpu.memory_space<vmem>>, vector<1x512xf32>
    tpu.vector_store %arg5[%swap3A, %swap3A_58], %slice3A_57 {strides = array<i32>} : memref<1x512xf32, #tpu.memory_space<vmem>>, vector<1x512xf32>,
    %min3A = arith.constant 3.400000e+01 : f32
    %min3A_60 = vector.broadcast %min3A : f32 to vector<128x512xf32>
    %min3A_61 = arith.minimumf %add3A_56, %min3A_60 : vector<128x512xf32>
    %le3A_62 = arith.constant 0.000000e+00 : f32
    %le3A_63 = vector.broadcast %le3A_62 : f32 to vector<128x512xf32>
    %le3A_64 = arith.cmpf ole, %min3A_61, %le3A_63 : vector<128x512xf32>
    %jit3A = arith.constant 1.000000e+00 : f32
    %jit3A_65 = arith.constant 0.000000e+00 : f32
    %broadcast_in_dim3A = vector.broadcast %jit3A : f32 to vector<128x512xf32>
    %broadcast_in_dim3A_66 = vector.broadcast %jit3A_65 : f32 to vector<128x512xf32>
    %select_n3A = arith.select %le3A_64, %broadcast_in_dim3A, %broadcast_in_dim3A_66 : vector<128x512xi1>, vector<128x512xf32>
    %reduce_sum3A = arith.constant dense<0.000000e+00> : vector<512xf32>
    %reduce_sum3A_67 = vector.multi_reduction <add>, %select_n3A, %reduce_sum3A [0] : vector<128x512xf32> to vector<512xf32>
    %broadcast_in_dim3A_68 = vector.shape_cast %reduce_sum3A_67 : vector<512xf32> to vector<1x512xf32>
    %le3A_69 = arith.constant 1.000000e+00 : f32
    %le3A_70 = vector.broadcast %le3A_69 : f32 to vector<128x512xf32>
    %le3A_71 = arith.cmpf ole, %min3A_61, %le3A_70 : vector<128x512xf32>
    %jit3A_72 = arith.constant 1.000000e+00 : f32
    %jit3A_73 = arith.constant 0.000000e+00 : f32
    %broadcast_in_dim3A_74 = vector.broadcast %jit3A_72 : f32 to vector<128x512xf32>
    %broadcast_in_dim3A_75 = vector.broadcast %jit3A_73 : f32 to vector<128x512xf32>
    %select_n3A_76 = arith.select %le3A_71, %broadcast_in_dim3A_74, %broadcast_in_dim3A_75 : vector<128x512xi1>, vector<128x512xf32>
    %reduce_sum3A_77 = arith.constant dense<0.000000e+00> : vector<512xf32>
    %reduce_sum3A_78 = vector.multi_reduction <add>, %select_n3A_76, %reduce_sum3A_77 [0] : vector<128x512xf32> to vector<512xf32>
    %broadcast_in_dim3A_79 = vector.shape_cast %reduce_sum3A_78 : vector<512xf32> to vector<1x512xf32>
    %le3A_80 = arith.constant 2.000000e+00 : f32
    %le3A_81 = vector.broadcast %le3A_80 : f32 to vector<128x512xf32>
    %le3A_82 = arith.cmpf ole, %min3A_61, %le3A_81 : vector<128x512xf32>
    %jit3A_83 = arith.constant 1.000000e+00 : f32
    %jit3A_84 = arith.constant 0.000000e+00 : f32
    %broadcast_in_dim3A_85 = vector.broadcast %jit3A_83 : f32 to vector<128x512xf32>
    %broadcast_in_dim3A_86 = vector.broadcast %jit3A_84 : f32 to vector<128x512xf32>
    %select_n3A_87 = arith.select %le3A_82, %broadcast_in_dim3A_85, %broadcast_in_dim3A_86 : vector<128x512xi1>, vector<128x512xf32>
    %reduce_sum3A_88 = arith.constant dense<0.000000e+00> : vector<512xf32>
    %reduce_sum3A_89 = vector.multi_reduction <add>, %select_n3A_87, %reduce_sum3A_88 [0] : vector<128x512xf32> to vector<512xf32>
    %broadcast_in_dim3A_90 = vector.shape_cast %reduce_sum3A_89 : vector<512xf32> to vector<1x512xf32>
    %le3A_91 = arith.constant 3.000000e+00 : f32
    %le3A_92 = vector.broadcast %le3A_91 : f32 to vector<128x512xf32>
    %le3A_93 = arith.cmpf ole, %min3A_61, %le3A_92 : vector<128x512xf32>
    %jit3A_94 = arith.constant 1.000000e+00 : f32
    %jit3A_95 = arith.constant 0.000000e+00 : f32
    %broadcast_in_dim3A_96 = vector.broadcast %jit3A_94 : f32 to vector<128x512xf32>
    %broadcast_in_dim3A_97 = vector.broadcast %jit3A_95 : f32 to vector<128x512xf32>
    %select_n3A_98 = arith.select %le3A_93, %broadcast_in_dim3A_96, %broadcast_in_dim3A_97 : vector<128x512xi1>, vector<128x512xf32>
    %reduce_sum3A_99 = arith.constant dense<0.000000e+00> : vector<512xf32>
    %reduce_sum3A_100 = vector.multi_reduction <add>, %select_n3A_98, %reduce_sum3A_99 [0] : vector<128x512xf32> to vector<512xf32>
    %broadcast_in_dim3A_101 = vector.shape_cast %reduce_sum3A_100 : vector<512xf32> to vector<1x512xf32>
    %le3A_102 = arith.constant 4.000000e+00 : f32
    %le3A_103 = vector.broadcast %le3A_102 : f32 to vector<128x512xf32>
    %le3A_104 = arith.cmpf ole, %min3A_61, %le3A_103 : vector<128x512xf32>
    %jit3A_105 = arith.constant 1.000000e+00 : f32
    %jit3A_106 = arith.constant 0.000000e+00 : f32
    %broadcast_in_dim3A_107 = vector.broadcast %jit3A_105 : f32 to vector<128x512xf32>
    %broadcast_in_dim3A_108 = vector.broadcast %jit3A_106 : f32 to vector<128x512xf32>
    %select_n3A_109 = arith.select %le3A_104, %broadcast_in_dim3A_107, %broadcast_in_dim3A_108 : vector<128x512xi1>, vector<128x512xf32>
    %reduce_sum3A_110 = arith.constant dense<0.000000e+00> : vector<512xf32>
    %reduce_sum3A_111 = vector.multi_reduction <add>, %select_n3A_109, %reduce_sum3A_110 [0] : vector<128x512xf32> to vector<512xf32>
    %broadcast_in_dim3A_112 = vector.shape_cast %reduce_sum3A_111 : vector<512xf32> to vector<1x512xf32>
    %le3A_113 = arith.constant 5.000000e+00 : f32
    %le3A_114 = vector.broadcast %le3A_113 : f32 to vector<128x512xf32>
    %le3A_115 = arith.cmpf ole, %min3A_61, %le3A_114 : vector<128x512xf32>
    %jit3A_116 = arith.constant 1.000000e+00 : f32
    %jit3A_117 = arith.constant 0.000000e+00 : f32
    %broadcast_in_dim3A_118 = vector.broadcast %jit3A_116 : f32 to vector<128x512xf32>
    %broadcast_in_dim3A_119 = vector.broadcast %jit3A_117 : f32 to vector<128x512xf32>
    %select_n3A_120 = arith.select %le3A_115, %broadcast_in_dim3A_118, %broadcast_in_dim3A_119 : vector<128x512xi1>, vector<128x512xf32>
    %reduce_sum3A_121 = arith.constant dense<0.000000e+00> : vector<512xf32>
    %reduce_sum3A_122 = vector.multi_reduction <add>, %select_n3A_120, %reduce_sum3A_121 [0] : vector<128x512xf32> to vector<512xf32>
    %broadcast_in_dim3A_123 = vector.shape_cast %reduce_sum3A_122 : vector<512xf32> to vector<1x512xf32>
    %le3A_124 = arith.constant 6.000000e+00 : f32
    %le3A_125 = vector.broadcast %le3A_124 : f32 to vector<128x512xf32>
    %le3A_126 = arith.cmpf ole, %min3A_61, %le3A_125 : vector<128x512xf32>
    %jit3A_127 = arith.constant 1.000000e+00 : f32
    %jit3A_128 = arith.constant 0.000000e+00 : f32
    %broadcast_in_dim3A_129 = vector.broadcast %jit3A_127 : f32 to vector<128x512xf32>
    %broadcast_in_dim3A_130 = vector.broadcast %jit3A_128 : f32 to vector<128x512xf32>
    %select_n3A_131 = arith.select %le3A_126, %broadcast_in_dim3A_129, %broadcast_in_dim3A_130 : vector<128x512xi1>, vector<128x512xf32>
    %reduce_sum3A_132 = arith.constant dense<0.000000e+00> : vector<512xf32>
    %reduce_sum3A_133 = vector.multi_reduction <add>, %select_n3A_131, %reduce_sum3A_132 [0] : vector<128x512xf32> to vector<512xf32>
    %broadcast_in_dim3A_134 = vector.shape_cast %reduce_sum3A_133 : vector<512xf32> to vector<1x512xf32>
    %le3A_135 = arith.constant 7.000000e+00 : f32
    %le3A_136 = vector.broadcast %le3A_135 : f32 to vector<128x512xf32>
    %le3A_137 = arith.cmpf ole, %min3A_61, %le3A_136 : vector<128x512xf32>
    %jit3A_138 = arith.constant 1.000000e+00 : f32
    %jit3A_139 = arith.constant 0.000000e+00 : f32
    %broadcast_in_dim3A_140 = vector.broadcast %jit3A_138 : f32 to vector<128x512xf32>
    %broadcast_in_dim3A_141 = vector.broadcast %jit3A_139 : f32 to vector<128x512xf32>
    %select_n3A_142 = arith.select %le3A_137, %broadcast_in_dim3A_140, %broadcast_in_dim3A_141 : vector<128x512xi1>, vector<128x512xf32>
    %reduce_sum3A_143 = arith.constant dense<0.000000e+00> : vector<512xf32>
    %reduce_sum3A_144 = vector.multi_reduction <add>, %select_n3A_142, %reduce_sum3A_143 [0] : vector<128x512xf32> to vector<512xf32>
    %broadcast_in_dim3A_145 = vector.shape_cast %reduce_sum3A_144 : vector<512xf32> to vector<1x512xf32>
    %le3A_146 = arith.constant 8.000000e+00 : f32
    %le3A_147 = vector.broadcast %le3A_146 : f32 to vector<128x512xf32>
    %le3A_148 = arith.cmpf ole, %min3A_61, %le3A_147 : vector<128x512xf32>
    %jit3A_149 = arith.constant 1.000000e+00 : f32
    %jit3A_150 = arith.constant 0.000000e+00 : f32
    %broadcast_in_dim3A_151 = vector.broadcast %jit3A_149 : f32 to vector<128x512xf32>
    %broadcast_in_dim3A_152 = vector.broadcast %jit3A_150 : f32 to vector<128x512xf32>
    %select_n3A_153 = arith.select %le3A_148, %broadcast_in_dim3A_151, %broadcast_in_dim3A_152 : vector<128x512xi1>, vector<128x512xf32>
    %reduce_sum3A_154 = arith.constant dense<0.000000e+00> : vector<512xf32>
    %reduce_sum3A_155 = vector.multi_reduction <add>, %select_n3A_153, %reduce_sum3A_154 [0] : vector<128x512xf32> to vector<512xf32>
    %broadcast_in_dim3A_156 = vector.shape_cast %reduce_sum3A_155 : vector<512xf32> to vector<1x512xf32>
    %le3A_157 = arith.constant 9.000000e+00 : f32
    %le3A_158 = vector.broadcast %le3A_157 : f32 to vector<128x512xf32>
    %le3A_159 = arith.cmpf ole, %min3A_61, %le3A_158 : vector<128x512xf32>
    %jit3A_160 = arith.constant 1.000000e+00 : f32
    %jit3A_161 = arith.constant 0.000000e+00 : f32
    %broadcast_in_dim3A_162 = vector.broadcast %jit3A_160 : f32 to vector<128x512xf32>
    %broadcast_in_dim3A_163 = vector.broadcast %jit3A_161 : f32 to vector<128x512xf32>
    %select_n3A_164 = arith.select %le3A_159, %broadcast_in_dim3A_162, %broadcast_in_dim3A_163 : vector<128x512xi1>, vector<128x512xf32>
    %reduce_sum3A_165 = arith.constant dense<0.000000e+00> : vector<512xf32>
    %reduce_sum3A_166 = vector.multi_reduction <add>, %select_n3A_164, %reduce_sum3A_165 [0] : vector<128x512xf32> to vector<512xf32>
    %broadcast_in_dim3A_167 = vector.shape_cast %reduce_sum3A_166 : vector<512xf32> to vector<1x512xf32>
    %le3A_168 = arith.constant 1.000000e+01 : f32
    %le3A_169 = vector.broadcast %le3A_168 : f32 to vector<128x512xf32>
    %le3A_170 = arith.cmpf ole, %min3A_61, %le3A_169 : vector<128x512xf32>
    %jit3A_171 = arith.constant 1.000000e+00 : f32
    %jit3A_172 = arith.constant 0.000000e+00 : f32
    %broadcast_in_dim3A_173 = vector.broadcast %jit3A_171 : f32 to vector<128x512xf32>
    %broadcast_in_dim3A_174 = vector.broadcast %jit3A_172 : f32 to vector<128x512xf32>
    %select_n3A_175 = arith.select %le3A_170, %broadcast_in_dim3A_173, %broadcast_in_dim3A_174 : vector<128x512xi1>, vector<128x512xf32>
    %reduce_sum3A_176 = arith.constant dense<0.000000e+00> : vector<512xf32>
    %reduce_sum3A_177 = vector.multi_reduction <add>, %select_n3A_175, %reduce_sum3A_176 [0] : vector<128x512xf32> to vector<512xf32>
    %broadcast_in_dim3A_178 = vector.shape_cast %reduce_sum3A_177 : vector<512xf32> to vector<1x512xf32>
    %le3A_179 = arith.constant 1.100000e+01 : f32
    %le3A_180 = vector.broadcast %le3A_179 : f32 to vector<128x512xf32>
    %le3A_181 = arith.cmpf ole, %min3A_61, %le3A_180 : vector<128x512xf32>
    %jit3A_182 = arith.constant 1.000000e+00 : f32
    %jit3A_183 = arith.constant 0.000000e+00 : f32
    %broadcast_in_dim3A_184 = vector.broadcast %jit3A_182 : f32 to vector<128x512xf32>
    %broadcast_in_dim3A_185 = vector.broadcast %jit3A_183 : f32 to vector<128x512xf32>
    %select_n3A_186 = arith.select %le3A_181, %broadcast_in_dim3A_184, %broadcast_in_dim3A_185 : vector<128x512xi1>, vector<128x512xf32>
    %reduce_sum3A_187 = arith.constant dense<0.000000e+00> : vector<512xf32>
    %reduce_sum3A_188 = vector.multi_reduction <add>, %select_n3A_186, %reduce_sum3A_187 [0] : vector<128x512xf32> to vector<512xf32>
    %broadcast_in_dim3A_189 = vector.shape_cast %reduce_sum3A_188 : vector<512xf32> to vector<1x512xf32>
    %le3A_190 = arith.constant 1.200000e+01 : f32
    %le3A_191 = vector.broadcast %le3A_190 : f32 to vector<128x512xf32>
    %le3A_192 = arith.cmpf ole, %min3A_61, %le3A_191 : vector<128x512xf32>
    %jit3A_193 = arith.constant 1.000000e+00 : f32
    %jit3A_194 = arith.constant 0.000000e+00 : f32
    %broadcast_in_dim3A_195 = vector.broadcast %jit3A_193 : f32 to vector<128x512xf32>
    %broadcast_in_dim3A_196 = vector.broadcast %jit3A_194 : f32 to vector<128x512xf32>
    %select_n3A_197 = arith.select %le3A_192, %broadcast_in_dim3A_195, %broadcast_in_dim3A_196 : vector<128x512xi1>, vector<128x512xf32>
    %reduce_sum3A_198 = arith.constant dense<0.000000e+00> : vector<512xf32>
    %reduce_sum3A_199 = vector.multi_reduction <add>, %select_n3A_197, %reduce_sum3A_198 [0] : vector<128x512xf32> to vector<512xf32>
    %broadcast_in_dim3A_200 = vector.shape_cast %reduce_sum3A_199 : vector<512xf32> to vector<1x512xf32>
    %le3A_201 = arith.constant 1.300000e+01 : f32
    %le3A_202 = vector.broadcast %le3A_201 : f32 to vector<128x512xf32>
    %le3A_203 = arith.cmpf ole, %min3A_61, %le3A_202 : vector<128x512xf32>
    %jit3A_204 = arith.constant 1.000000e+00 : f32
    %jit3A_205 = arith.constant 0.000000e+00 : f32
    %broadcast_in_dim3A_206 = vector.broadcast %jit3A_204 : f32 to vector<128x512xf32>
    %broadcast_in_dim3A_207 = vector.broadcast %jit3A_205 : f32 to vector<128x512xf32>
    %select_n3A_208 = arith.select %le3A_203, %broadcast_in_dim3A_206, %broadcast_in_dim3A_207 : vector<128x512xi1>, vector<128x512xf32>
    %reduce_sum3A_209 = arith.constant dense<0.000000e+00> : vector<512xf32>
    %reduce_sum3A_210 = vector.multi_reduction <add>, %select_n3A_208, %reduce_sum3A_209 [0] : vector<128x512xf32> to vector<512xf32>
    %broadcast_in_dim3A_211 = vector.shape_cast %reduce_sum3A_210 : vector<512xf32> to vector<1x512xf32>
    %le3A_212 = arith.constant 1.400000e+01 : f32
    %le3A_213 = vector.broadcast %le3A_212 : f32 to vector<128x512xf32>
    %le3A_214 = arith.cmpf ole, %min3A_61, %le3A_213 : vector<128x512xf32>
    %jit3A_215 = arith.constant 1.000000e+00 : f32
    %jit3A_216 = arith.constant 0.000000e+00 : f32
    %broadcast_in_dim3A_217 = vector.broadcast %jit3A_215 : f32 to vector<128x512xf32>
    %broadcast_in_dim3A_218 = vector.broadcast %jit3A_216 : f32 to vector<128x512xf32>
    %select_n3A_219 = arith.select %le3A_214, %broadcast_in_dim3A_217, %broadcast_in_dim3A_218 : vector<128x512xi1>, vector<128x512xf32>
    %reduce_sum3A_220 = arith.constant dense<0.000000e+00> : vector<512xf32>
    %reduce_sum3A_221 = vector.multi_reduction <add>, %select_n3A_219, %reduce_sum3A_220 [0] : vector<128x512xf32> to vector<512xf32>
    %broadcast_in_dim3A_222 = vector.shape_cast %reduce_sum3A_221 : vector<512xf32> to vector<1x512xf32>
    %le3A_223 = arith.constant 1.500000e+01 : f32
    %le3A_224 = vector.broadcast %le3A_223 : f32 to vector<128x512xf32>
    %le3A_225 = arith.cmpf ole, %min3A_61, %le3A_224 : vector<128x512xf32>
    %jit3A_226 = arith.constant 1.000000e+00 : f32
    %jit3A_227 = arith.constant 0.000000e+00 : f32
    %broadcast_in_dim3A_228 = vector.broadcast %jit3A_226 : f32 to vector<128x512xf32>
    %broadcast_in_dim3A_229 = vector.broadcast %jit3A_227 : f32 to vector<128x512xf32>
    %select_n3A_230 = arith.select %le3A_225, %broadcast_in_dim3A_228, %broadcast_in_dim3A_229 : vector<128x512xi1>, vector<128x512xf32>
    %reduce_sum3A_231 = arith.constant dense<0.000000e+00> : vector<512xf32>
    %reduce_sum3A_232 = vector.multi_reduction <add>, %select_n3A_230, %reduce_sum3A_231 [0] : vector<128x512xf32> to vector<512xf32>
    %broadcast_in_dim3A_233 = vector.shape_cast %reduce_sum3A_232 : vector<512xf32> to vector<1x512xf32>
    %le3A_234 = arith.constant 1.600000e+01 : f32
    %le3A_235 = vector.broadcast %le3A_234 : f32 to vector<128x512xf32>
    %le3A_236 = arith.cmpf ole, %min3A_61, %le3A_235 : vector<128x512xf32>
    %jit3A_237 = arith.constant 1.000000e+00 : f32
    %jit3A_238 = arith.constant 0.000000e+00 : f32
    %broadcast_in_dim3A_239 = vector.broadcast %jit3A_237 : f32 to vector<128x512xf32>
    %broadcast_in_dim3A_240 = vector.broadcast %jit3A_238 : f32 to vector<128x512xf32>
    %select_n3A_241 = arith.select %le3A_236, %broadcast_in_dim3A_239, %broadcast_in_dim3A_240 : vector<128x512xi1>, vector<128x512xf32>
    %reduce_sum3A_242 = arith.constant dense<0.000000e+00> : vector<512xf32>
    %reduce_sum3A_243 = vector.multi_reduction <add>, %select_n3A_241, %reduce_sum3A_242 [0] : vector<128x512xf32> to vector<512xf32>
    %broadcast_in_dim3A_244 = vector.shape_cast %reduce_sum3A_243 : vector<512xf32> to vector<1x512xf32>
    %le3A_245 = arith.constant 1.700000e+01 : f32
    %le3A_246 = vector.broadcast %le3A_245 : f32 to vector<128x512xf32>
    %le3A_247 = arith.cmpf ole, %min3A_61, %le3A_246 : vector<128x512xf32>
    %jit3A_248 = arith.constant 1.000000e+00 : f32
    %jit3A_249 = arith.constant 0.000000e+00 : f32
    %broadcast_in_dim3A_250 = vector.broadcast %jit3A_248 : f32 to vector<128x512xf32>
    %broadcast_in_dim3A_251 = vector.broadcast %jit3A_249 : f32 to vector<128x512xf32>
    %select_n3A_252 = arith.select %le3A_247, %broadcast_in_dim3A_250, %broadcast_in_dim3A_251 : vector<128x512xi1>, vector<128x512xf32>
    %reduce_sum3A_253 = arith.constant dense<0.000000e+00> : vector<512xf32>
    %reduce_sum3A_254 = vector.multi_reduction <add>, %select_n3A_252, %reduce_sum3A_253 [0] : vector<128x512xf32> to vector<512xf32>
    %broadcast_in_dim3A_255 = vector.shape_cast %reduce_sum3A_254 : vector<512xf32> to vector<1x512xf32>
    %le3A_256 = arith.constant 1.800000e+01 : f32
    %le3A_257 = vector.broadcast %le3A_256 : f32 to vector<128x512xf32>
    %le3A_258 = arith.cmpf ole, %min3A_61, %le3A_257 : vector<128x512xf32>
    %jit3A_259 = arith.constant 1.000000e+00 : f32
    %jit3A_260 = arith.constant 0.000000e+00 : f32
    %broadcast_in_dim3A_261 = vector.broadcast %jit3A_259 : f32 to vector<128x512xf32>
    %broadcast_in_dim3A_262 = vector.broadcast %jit3A_260 : f32 to vector<128x512xf32>
    %select_n3A_263 = arith.select %le3A_258, %broadcast_in_dim3A_261, %broadcast_in_dim3A_262 : vector<128x512xi1>, vector<128x512xf32>
    %reduce_sum3A_264 = arith.constant dense<0.000000e+00> : vector<512xf32>
    %reduce_sum3A_265 = vector.multi_reduction <add>, %select_n3A_263, %reduce_sum3A_264 [0] : vector<128x512xf32> to vector<512xf32>
    %broadcast_in_dim3A_266 = vector.shape_cast %reduce_sum3A_265 : vector<512xf32> to vector<1x512xf32>
    %le3A_267 = arith.constant 1.900000e+01 : f32
    %le3A_268 = vector.broadcast %le3A_267 : f32 to vector<128x512xf32>
    %le3A_269 = arith.cmpf ole, %min3A_61, %le3A_268 : vector<128x512xf32>
    %jit3A_270 = arith.constant 1.000000e+00 : f32
    %jit3A_271 = arith.constant 0.000000e+00 : f32
    %broadcast_in_dim3A_272 = vector.broadcast %jit3A_270 : f32 to vector<128x512xf32>
    %broadcast_in_dim3A_273 = vector.broadcast %jit3A_271 : f32 to vector<128x512xf32>
    %select_n3A_274 = arith.select %le3A_269, %broadcast_in_dim3A_272, %broadcast_in_dim3A_273 : vector<128x512xi1>, vector<128x512xf32>
    %reduce_sum3A_275 = arith.constant dense<0.000000e+00> : vector<512xf32>
    %reduce_sum3A_276 = vector.multi_reduction <add>, %select_n3A_274, %reduce_sum3A_275 [0] : vector<128x512xf32> to vector<512xf32>
    %broadcast_in_dim3A_277 = vector.shape_cast %reduce_sum3A_276 : vector<512xf32> to vector<1x512xf32>
    %le3A_278 = arith.constant 2.000000e+01 : f32
    %le3A_279 = vector.broadcast %le3A_278 : f32 to vector<128x512xf32>
    %le3A_280 = arith.cmpf ole, %min3A_61, %le3A_279 : vector<128x512xf32>
    %jit3A_281 = arith.constant 1.000000e+00 : f32
    %jit3A_282 = arith.constant 0.000000e+00 : f32
    %broadcast_in_dim3A_283 = vector.broadcast %jit3A_281 : f32 to vector<128x512xf32>
    %broadcast_in_dim3A_284 = vector.broadcast %jit3A_282 : f32 to vector<128x512xf32>
    %select_n3A_285 = arith.select %le3A_280, %broadcast_in_dim3A_283, %broadcast_in_dim3A_284 : vector<128x512xi1>, vector<128x512xf32>
    %reduce_sum3A_286 = arith.constant dense<0.000000e+00> : vector<512xf32>
    %reduce_sum3A_287 = vector.multi_reduction <add>, %select_n3A_285, %reduce_sum3A_286 [0] : vector<128x512xf32> to vector<512xf32>
    %broadcast_in_dim3A_288 = vector.shape_cast %reduce_sum3A_287 : vector<512xf32> to vector<1x512xf32>
    %le3A_289 = arith.constant 2.100000e+01 : f32
    %le3A_290 = vector.broadcast %le3A_289 : f32 to vector<128x512xf32>
    %le3A_291 = arith.cmpf ole, %min3A_61, %le3A_290 : vector<128x512xf32>
    %jit3A_292 = arith.constant 1.000000e+00 : f32
    %jit3A_293 = arith.constant 0.000000e+00 : f32
    %broadcast_in_dim3A_294 = vector.broadcast %jit3A_292 : f32 to vector<128x512xf32>
    %broadcast_in_dim3A_295 = vector.broadcast %jit3A_293 : f32 to vector<128x512xf32>
    %select_n3A_296 = arith.select %le3A_291, %broadcast_in_dim3A_294, %broadcast_in_dim3A_295 : vector<128x512xi1>, vector<128x512xf32>
    %reduce_sum3A_297 = arith.constant dense<0.000000e+00> : vector<512xf32>
    %reduce_sum3A_298 = vector.multi_reduction <add>, %select_n3A_296, %reduce_sum3A_297 [0] : vector<128x512xf32> to vector<512xf32>
    %broadcast_in_dim3A_299 = vector.shape_cast %reduce_sum3A_298 : vector<512xf32> to vector<1x512xf32>
    %le3A_300 = arith.constant 2.200000e+01 : f32
    %le3A_301 = vector.broadcast %le3A_300 : f32 to vector<128x512xf32>
    %le3A_302 = arith.cmpf ole, %min3A_61, %le3A_301 : vector<128x512xf32>
    %jit3A_303 = arith.constant 1.000000e+00 : f32
    %jit3A_304 = arith.constant 0.000000e+00 : f32
    %broadcast_in_dim3A_305 = vector.broadcast %jit3A_303 : f32 to vector<128x512xf32>
    %broadcast_in_dim3A_306 = vector.broadcast %jit3A_304 : f32 to vector<128x512xf32>
    %select_n3A_307 = arith.select %le3A_302, %broadcast_in_dim3A_305, %broadcast_in_dim3A_306 : vector<128x512xi1>, vector<128x512xf32>
    %reduce_sum3A_308 = arith.constant dense<0.000000e+00> : vector<512xf32>
    %reduce_sum3A_309 = vector.multi_reduction <add>, %select_n3A_307, %reduce_sum3A_308 [0] : vector<128x512xf32> to vector<512xf32>
    %broadcast_in_dim3A_310 = vector.shape_cast %reduce_sum3A_309 : vector<512xf32> to vector<1x512xf32>
    %le3A_311 = arith.constant 2.300000e+01 : f32
    %le3A_312 = vector.broadcast %le3A_311 : f32 to vector<128x512xf32>
    %le3A_313 = arith.cmpf ole, %min3A_61, %le3A_312 : vector<128x512xf32>
    %jit3A_314 = arith.constant 1.000000e+00 : f32
    %jit3A_315 = arith.constant 0.000000e+00 : f32
    %broadcast_in_dim3A_316 = vector.broadcast %jit3A_314 : f32 to vector<128x512xf32>
    %broadcast_in_dim3A_317 = vector.broadcast %jit3A_315 : f32 to vector<128x512xf32>
    %select_n3A_318 = arith.select %le3A_313, %broadcast_in_dim3A_316, %broadcast_in_dim3A_317 : vector<128x512xi1>, vector<128x512xf32>
    %reduce_sum3A_319 = arith.constant dense<0.000000e+00> : vector<512xf32>
    %reduce_sum3A_320 = vector.multi_reduction <add>, %select_n3A_318, %reduce_sum3A_319 [0] : vector<128x512xf32> to vector<512xf32>
    %broadcast_in_dim3A_321 = vector.shape_cast %reduce_sum3A_320 : vector<512xf32> to vector<1x512xf32>
    %le3A_322 = arith.constant 2.400000e+01 : f32
    %le3A_323 = vector.broadcast %le3A_322 : f32 to vector<128x512xf32>
    %le3A_324 = arith.cmpf ole, %min3A_61, %le3A_323 : vector<128x512xf32>
    %jit3A_325 = arith.constant 1.000000e+00 : f32
    %jit3A_326 = arith.constant 0.000000e+00 : f32
    %broadcast_in_dim3A_327 = vector.broadcast %jit3A_325 : f32 to vector<128x512xf32>
    %broadcast_in_dim3A_328 = vector.broadcast %jit3A_326 : f32 to vector<128x512xf32>
    %select_n3A_329 = arith.select %le3A_324, %broadcast_in_dim3A_327, %broadcast_in_dim3A_328 : vector<128x512xi1>, vector<128x512xf32>
    %reduce_sum3A_330 = arith.constant dense<0.000000e+00> : vector<512xf32>
    %reduce_sum3A_331 = vector.multi_reduction <add>, %select_n3A_329, %reduce_sum3A_330 [0] : vector<128x512xf32> to vector<512xf32>
    %broadcast_in_dim3A_332 = vector.shape_cast %reduce_sum3A_331 : vector<512xf32> to vector<1x512xf32>
    %le3A_333 = arith.constant 2.500000e+01 : f32
    %le3A_334 = vector.broadcast %le3A_333 : f32 to vector<128x512xf32>
    %le3A_335 = arith.cmpf ole, %min3A_61, %le3A_334 : vector<128x512xf32>
    %jit3A_336 = arith.constant 1.000000e+00 : f32
    %jit3A_337 = arith.constant 0.000000e+00 : f32
    %broadcast_in_dim3A_338 = vector.broadcast %jit3A_336 : f32 to vector<128x512xf32>
    %broadcast_in_dim3A_339 = vector.broadcast %jit3A_337 : f32 to vector<128x512xf32>
    %select_n3A_340 = arith.select %le3A_335, %broadcast_in_dim3A_338, %broadcast_in_dim3A_339 : vector<128x512xi1>, vector<128x512xf32>
    %reduce_sum3A_341 = arith.constant dense<0.000000e+00> : vector<512xf32>
    %reduce_sum3A_342 = vector.multi_reduction <add>, %select_n3A_340, %reduce_sum3A_341 [0] : vector<128x512xf32> to vector<512xf32>
    %broadcast_in_dim3A_343 = vector.shape_cast %reduce_sum3A_342 : vector<512xf32> to vector<1x512xf32>
    %le3A_344 = arith.constant 2.600000e+01 : f32
    %le3A_345 = vector.broadcast %le3A_344 : f32 to vector<128x512xf32>
    %le3A_346 = arith.cmpf ole, %min3A_61, %le3A_345 : vector<128x512xf32>
    %jit3A_347 = arith.constant 1.000000e+00 : f32
    %jit3A_348 = arith.constant 0.000000e+00 : f32
    %broadcast_in_dim3A_349 = vector.broadcast %jit3A_347 : f32 to vector<128x512xf32>
    %broadcast_in_dim3A_350 = vector.broadcast %jit3A_348 : f32 to vector<128x512xf32>
    %select_n3A_351 = arith.select %le3A_346, %broadcast_in_dim3A_349, %broadcast_in_dim3A_350 : vector<128x512xi1>, vector<128x512xf32>
    %reduce_sum3A_352 = arith.constant dense<0.000000e+00> : vector<512xf32>
    %reduce_sum3A_353 = vector.multi_reduction <add>, %select_n3A_351, %reduce_sum3A_352 [0] : vector<128x512xf32> to vector<512xf32>
    %broadcast_in_dim3A_354 = vector.shape_cast %reduce_sum3A_353 : vector<512xf32> to vector<1x512xf32>
    %le3A_355 = arith.constant 2.700000e+01 : f32
    %le3A_356 = vector.broadcast %le3A_355 : f32 to vector<128x512xf32>
    %le3A_357 = arith.cmpf ole, %min3A_61, %le3A_356 : vector<128x512xf32>
    %jit3A_358 = arith.constant 1.000000e+00 : f32
    %jit3A_359 = arith.constant 0.000000e+00 : f32
    %broadcast_in_dim3A_360 = vector.broadcast %jit3A_358 : f32 to vector<128x512xf32>
    %broadcast_in_dim3A_361 = vector.broadcast %jit3A_359 : f32 to vector<128x512xf32>
    %select_n3A_362 = arith.select %le3A_357, %broadcast_in_dim3A_360, %broadcast_in_dim3A_361 : vector<128x512xi1>, vector<128x512xf32>
    %reduce_sum3A_363 = arith.constant dense<0.000000e+00> : vector<512xf32>
    %reduce_sum3A_364 = vector.multi_reduction <add>, %select_n3A_362, %reduce_sum3A_363 [0] : vector<128x512xf32> to vector<512xf32>
    %broadcast_in_dim3A_365 = vector.shape_cast %reduce_sum3A_364 : vector<512xf32> to vector<1x512xf32>
    %le3A_366 = arith.constant 2.800000e+01 : f32
    %le3A_367 = vector.broadcast %le3A_366 : f32 to vector<128x512xf32>
    %le3A_368 = arith.cmpf ole, %min3A_61, %le3A_367 : vector<128x512xf32>
    %jit3A_369 = arith.constant 1.000000e+00 : f32
    %jit3A_370 = arith.constant 0.000000e+00 : f32
    %broadcast_in_dim3A_371 = vector.broadcast %jit3A_369 : f32 to vector<128x512xf32>
    %broadcast_in_dim3A_372 = vector.broadcast %jit3A_370 : f32 to vector<128x512xf32>
    %select_n3A_373 = arith.select %le3A_368, %broadcast_in_dim3A_371, %broadcast_in_dim3A_372 : vector<128x512xi1>, vector<128x512xf32>
    %reduce_sum3A_374 = arith.constant dense<0.000000e+00> : vector<512xf32>
    %reduce_sum3A_375 = vector.multi_reduction <add>, %select_n3A_373, %reduce_sum3A_374 [0] : vector<128x512xf32> to vector<512xf32>
    %broadcast_in_dim3A_376 = vector.shape_cast %reduce_sum3A_375 : vector<512xf32> to vector<1x512xf32>
    %le3A_377 = arith.constant 2.900000e+01 : f32
    %le3A_378 = vector.broadcast %le3A_377 : f32 to vector<128x512xf32>
    %le3A_379 = arith.cmpf ole, %min3A_61, %le3A_378 : vector<128x512xf32>
    %jit3A_380 = arith.constant 1.000000e+00 : f32
    %jit3A_381 = arith.constant 0.000000e+00 : f32
    %broadcast_in_dim3A_382 = vector.broadcast %jit3A_380 : f32 to vector<128x512xf32>
    %broadcast_in_dim3A_383 = vector.broadcast %jit3A_381 : f32 to vector<128x512xf32>
    %select_n3A_384 = arith.select %le3A_379, %broadcast_in_dim3A_382, %broadcast_in_dim3A_383 : vector<128x512xi1>, vector<128x512xf32>
    %reduce_sum3A_385 = arith.constant dense<0.000000e+00> : vector<512xf32>
    %reduce_sum3A_386 = vector.multi_reduction <add>, %select_n3A_384, %reduce_sum3A_385 [0] : vector<128x512xf32> to vector<512xf32>
    %broadcast_in_dim3A_387 = vector.shape_cast %reduce_sum3A_386 : vector<512xf32> to vector<1x512xf32>
    %le3A_388 = arith.constant 3.000000e+01 : f32
    %le3A_389 = vector.broadcast %le3A_388 : f32 to vector<128x512xf32>
    %le3A_390 = arith.cmpf ole, %min3A_61, %le3A_389 : vector<128x512xf32>
    %jit3A_391 = arith.constant 1.000000e+00 : f32
    %jit3A_392 = arith.constant 0.000000e+00 : f32
    %broadcast_in_dim3A_393 = vector.broadcast %jit3A_391 : f32 to vector<128x512xf32>
    %broadcast_in_dim3A_394 = vector.broadcast %jit3A_392 : f32 to vector<128x512xf32>
    %select_n3A_395 = arith.select %le3A_390, %broadcast_in_dim3A_393, %broadcast_in_dim3A_394 : vector<128x512xi1>, vector<128x512xf32>
    %reduce_sum3A_396 = arith.constant dense<0.000000e+00> : vector<512xf32>
    %reduce_sum3A_397 = vector.multi_reduction <add>, %select_n3A_395, %reduce_sum3A_396 [0] : vector<128x512xf32> to vector<512xf32>
    %broadcast_in_dim3A_398 = vector.shape_cast %reduce_sum3A_397 : vector<512xf32> to vector<1x512xf32>
    %le3A_399 = arith.constant 3.100000e+01 : f32
    %le3A_400 = vector.broadcast %le3A_399 : f32 to vector<128x512xf32>
    %le3A_401 = arith.cmpf ole, %min3A_61, %le3A_400 : vector<128x512xf32>
    %jit3A_402 = arith.constant 1.000000e+00 : f32
    %jit3A_403 = arith.constant 0.000000e+00 : f32
    %broadcast_in_dim3A_404 = vector.broadcast %jit3A_402 : f32 to vector<128x512xf32>
    %broadcast_in_dim3A_405 = vector.broadcast %jit3A_403 : f32 to vector<128x512xf32>
    %select_n3A_406 = arith.select %le3A_401, %broadcast_in_dim3A_404, %broadcast_in_dim3A_405 : vector<128x512xi1>, vector<128x512xf32>
    %reduce_sum3A_407 = arith.constant dense<0.000000e+00> : vector<512xf32>
    %reduce_sum3A_408 = vector.multi_reduction <add>, %select_n3A_406, %reduce_sum3A_407 [0] : vector<128x512xf32> to vector<512xf32>
    %broadcast_in_dim3A_409 = vector.shape_cast %reduce_sum3A_408 : vector<512xf32> to vector<1x512xf32>
    %get3A_410 = arith.constant 0 : index
    %get3A_411 = arith.constant 0 : index
    %get3A_412 = vector.load %arg6[%get3A_410, %get3A_411] : memref<32x512xf32, #tpu.memory_space<vmem>>, vector<32x512xf32>
    %concatenate3A = tpu.concatenate %broadcast_in_dim3A_68, %broadcast_in_dim3A_79, %broadcast_in_dim3A_90, %broadcast_in_dim3A_101, %broadcast_in_dim3A_112, %broadcast_in_dim3A_123, %broadcast_in_dim3A_134, %broadcast_in_dim3A_145, %broadcast_in_dim3A_156, %broadcast_in_dim3A_167, %broadcast_in_dim3A_178, %broadcast_in_dim3A_189, %broadcast_in_dim3A_200, %broadcast_in_dim3A_211, %broadcast_in_dim3A_222, %broadcast_in_dim3A_233, %broadcast_in_dim3A_244, %broadcast_in_dim3A_255, %broadcast_in_dim3A_266, %broadcast_in_dim3A_277, %broadcast_in_dim3A_288, %broadcast_in_dim3A_299, %broadcast_in_dim3A_310, %broadcast_in_dim3A_321, %broadcast_in_dim3A_332, %broadcast_in_dim3A_343, %broadcast_in_dim3A_354, %broadcast_in_dim3A_365, %broadcast_in_dim3A_376, %broadcast_in_dim3A_387, %broadcast_in_dim3A_398, %broadcast_in_dim3A_409 in 0 : vector<1x512xf32>, vector<1x512xf32>, vector<1x512xf32>, vector<1x512xf32>, vector<1x512xf32>, vector<1x512xf32>, vector<1x512xf32>, vector<1x512xf32>, vector<1x512xf32>, vector<1x512xf32>, vector<1x512xf32>, vector<1x512xf32>, vector<1x512xf32>, vector<1x512xf32>, vector<1x512xf32>, vector<1x512xf32>, vector<1x512xf32>, vector<1x512xf32>, vector<1x512xf32>, vector<1x512xf32>, vector<1x512xf32>, vector<1x512xf32>, vector<1x512xf32>, vector<1x512xf32>, vector<1x512xf32>, vector<1x512xf32>, vector<1x512xf32>, vector<1x512xf32>, vector<1x512xf32>, vector<1x512xf32>, vector<1x512xf32>, vector<1x512xf32> -> vector<32x512xf32>
    %add3A_413 = arith.addf %get3A_412, %concatenate3A : vector<32x512xf32>
    %swap3A_414 = arith.constant 0 : index
    %swap3A_415 = arith.constant 0 : index
    %swap3A_416 = vector.load %arg6[%swap3A_414, %swap3A_415] : memref<32x512xf32, #tpu.memory_space<vmem>>, vector<32x512xf32>
    tpu.vector_store %arg6[%swap3A_414, %swap3A_415], %add3A_413 {strides = array<i32>} : memref<32x512xf32, #tpu.memory_space<vmem>>, vector<32x512xf32>,
    %eq3A_417 = arith.constant 31 : i32
    %eq3A_418 = arith.cmpi eq, %arg1, %eq3A_417 : i32
    %convert_element_type3A_419 = arith.extui %eq3A_418 : i1 to i32
    %cond3A_420 = arith.constant 0 : i32
    %cond3A_421 = arith.cmpi ne, %convert_element_type3A_419, %cond3A_420 : i32
    scf.if %cond3A_421 {
      %get3A_422 = arith.constant 0 : index
      %get3A_423 = arith.constant 0 : index
      %get3A_424 = vector.load %arg6[%get3A_422, %get3A_423] : memref<32x512xf32, #tpu.memory_space<vmem>>, vector<32x512xf32>
      %eq3A_425 = arith.constant 4.096000e+03 : f32
      %eq3A_426 = vector.broadcast %eq3A_425 : f32 to vector<32x512xf32>
      %eq3A_427 = arith.cmpf oeq, %get3A_424, %eq3A_426 : vector<32x512xf32>
      %slice3A_428 = vector.extract_strided_slice %get3A_424 {offsets = [0, 0], sizes = [1, 512], strides = [1, 1]} : vector<32x512xf32> to vector<1x512xf32>
      %broadcast_in_dim3A_429 = vector.shape_cast %slice3A_428 : vector<1x512xf32> to vector<1x512xf32>
      %broadcast_in_dim3A_430 = vector.broadcast %broadcast_in_dim3A_429 : vector<1x512xf32> to vector<32x512xf32>
      %select_n3A_431 = arith.select %eq3A_427, %broadcast_in_dim3A_430, %get3A_424 : vector<32x512xi1>, vector<32x512xf32>
      %convert_element_type3A_432 = arith.fptosi %select_n3A_431 : vector<32x512xf32> to vector<32x512xi32>
      %mul3A_433 = arith.constant 4096 : i32
      %mul3A_434 = arith.muli %arg0, %mul3A_433 : i32
      %add3A_435 = vector.broadcast %mul3A_434 : i32 to vector<32x512xi32>
      %add3A_436 = arith.addi %convert_element_type3A_432, %add3A_435 : vector<32x512xi32>
      %swap3A_437 = arith.constant 0 : index
      %swap3A_438 = arith.constant 0 : index
      %swap3A_439 = arith.constant 0 : index
      %swap3A_440 = vector.load %arg4[%swap3A_437, %swap3A_438, %swap3A_439] : memref<1x32x512xi32, #tpu.memory_space<vmem>>, vector<1x32x512xi32>
      %swap3A_441 = vector.shape_cast %swap3A_440 : vector<1x32x512xi32> to vector<32x512xi32>
      %swap3A_442 = vector.shape_cast %add3A_436 : vector<32x512xi32> to vector<1x32x512xi32>
      tpu.vector_store %arg4[%swap3A_437, %swap3A_438, %swap3A_439], %swap3A_442 {strides = array<i32>} : memref<1x32x512xi32, #tpu.memory_space<vmem>>, vector<1x32x512xi32>,
    } else {
    }
    return
  }
  func.func @transform_0(%arg0: i32, %arg1: i32) -> (i32, i32, i32) {
    %c0_i32 = arith.constant 0 : i32
    %c0_i32_0 = arith.constant 0 : i32
    return %arg0, %arg1, %c0_i32 : i32, i32, i32
  }
  func.func @transform_1(%arg0: i32, %arg1: i32) -> (i32, i32, i32) {
    %c0_i32 = arith.constant 0 : i32
    %c0_i32_0 = arith.constant 0 : i32
    %c0_i32_1 = arith.constant 0 : i32
    return %arg0, %c0_i32, %c0_i32_0 : i32, i32, i32
  }
  func.func @transform_2(%arg0: i32, %arg1: i32) -> (i32, i32, i32) {
    %c0_i32 = arith.constant 0 : i32
    %c0_i32_0 = arith.constant 0 : i32
    %c0_i32_1 = arith.constant 0 : i32
    return %arg0, %c0_i32, %c0_i32_0 : i32, i32, i32
  }
}

module attributes {stable_mosaic.version = 14 : i64} {
  func.func @_embed_body(%arg0: i32, %arg1: memref<1024x128xf32, #tpu.memory_space<vmem>>, %arg2: memref<128x128xf32, #tpu.memory_space<vmem>>, %arg3: memref<1x128xf32, #tpu.memory_space<vmem>>, %arg4: memref<128x256xf32, #tpu.memory_space<vmem>>, %arg5: memref<1x256xf32, #tpu.memory_space<vmem>>, %arg6: memref<1024x256xf32, #tpu.memory_space<vmem>>) attributes {dimension_semantics = [#tpu.dimension_semantics<arbitrary>], iteration_bounds = array<i64: 32>, scalar_prefetch = 0 : i64, scratch_operands = 0 : i64, tpu.core_type = #tpu.core_type<tc>, window_params = [{transform_indices = @transform_0, window_bounds = array<i64: 1024, 128>}, {pipeline_mode = #tpu.pipeline_mode<synchronous>, transform_indices = @transform_1, window_bounds = array<i64: 128, 128>}, {pipeline_mode = #tpu.pipeline_mode<synchronous>, transform_indices = @transform_2, window_bounds = array<i64: 1, 128>}, {pipeline_mode = #tpu.pipeline_mode<synchronous>, transform_indices = @transform_3, window_bounds = array<i64: 128, 256>}, {pipeline_mode = #tpu.pipeline_mode<synchronous>, transform_indices = @transform_4, window_bounds = array<i64: 1, 256>}, {transform_indices = @transform_5, window_bounds = array<i64: 1024, 256>}]} {
    %get3A = arith.constant 0 : index
    %get3A_0 = arith.constant 0 : index
    %get3A_1 = vector.load %arg1[%get3A, %get3A_0] : memref<1024x128xf32, #tpu.memory_space<vmem>>, vector<1024x128xf32>
    %convert_element_type3A = arith.truncf %get3A_1 : vector<1024x128xf32> to vector<1024x128xbf16>
    %get3A_2 = arith.constant 0 : index
    %get3A_3 = arith.constant 0 : index
    %get3A_4 = vector.load %arg2[%get3A_2, %get3A_3] : memref<128x128xf32, #tpu.memory_space<vmem>>, vector<128x128xf32>
    %convert_element_type3A_5 = arith.truncf %get3A_4 : vector<128x128xf32> to vector<128x128xbf16>
    %dot_general3A = arith.constant dense<0.000000e+00> : vector<1024x128xf32>
    %dot_general3A_6 = tpu.matmul %convert_element_type3A, %convert_element_type3A_5, %dot_general3A {dimension_numbers = #tpu.dot_dimension_numbers<[1], [0], [0], [1], [0, 0, 1, 1], [], []>, transpose_lhs_hint = false} : vector<1024x128xbf16>, vector<128x128xbf16>, vector<1024x128xf32> -> vector<1024x128xf32>
    %get3A_7 = arith.constant 0 : index
    %get3A_8 = arith.constant 0 : index
    %get3A_9 = vector.load %arg3[%get3A_7, %get3A_8] : memref<1x128xf32, #tpu.memory_space<vmem>>, vector<1x128xf32>
    %add3A = vector.broadcast %get3A_9 : vector<1x128xf32> to vector<1024x128xf32>
    %add3A_10 = arith.addf %dot_general3A_6, %add3A : vector<1024x128xf32>
    %max3A = arith.constant 0.000000e+00 : f32
    %max3A_11 = vector.broadcast %max3A : f32 to vector<1024x128xf32>
    %max3A_12 = arith.maximumf %add3A_10, %max3A_11 : vector<1024x128xf32>
    %convert_element_type3A_13 = arith.truncf %max3A_12 : vector<1024x128xf32> to vector<1024x128xbf16>
    %get3A_14 = arith.constant 0 : index
    %get3A_15 = arith.constant 0 : index
    %get3A_16 = vector.load %arg4[%get3A_14, %get3A_15] : memref<128x256xf32, #tpu.memory_space<vmem>>, vector<128x256xf32>
    %convert_element_type3A_17 = arith.truncf %get3A_16 : vector<128x256xf32> to vector<128x256xbf16>
    %dot_general3A_18 = arith.constant dense<0.000000e+00> : vector<1024x256xf32>
    %dot_general3A_19 = tpu.matmul %convert_element_type3A_13, %convert_element_type3A_17, %dot_general3A_18 {dimension_numbers = #tpu.dot_dimension_numbers<[1], [0], [0], [1], [0, 0, 1, 1], [], []>, transpose_lhs_hint = false} : vector<1024x128xbf16>, vector<128x256xbf16>, vector<1024x256xf32> -> vector<1024x256xf32>
    %get3A_20 = arith.constant 0 : index
    %get3A_21 = arith.constant 0 : index
    %get3A_22 = vector.load %arg5[%get3A_20, %get3A_21] : memref<1x256xf32, #tpu.memory_space<vmem>>, vector<1x256xf32>
    %add3A_23 = vector.broadcast %get3A_22 : vector<1x256xf32> to vector<1024x256xf32>
    %add3A_24 = arith.addf %dot_general3A_19, %add3A_23 : vector<1024x256xf32>
    %max3A_25 = arith.constant 0.000000e+00 : f32
    %max3A_26 = vector.broadcast %max3A_25 : f32 to vector<1024x256xf32>
    %max3A_27 = arith.maximumf %add3A_24, %max3A_26 : vector<1024x256xf32>
    %swap3A = arith.constant 0 : index
    %swap3A_28 = arith.constant 0 : index
    %swap3A_29 = vector.load %arg6[%swap3A, %swap3A_28] : memref<1024x256xf32, #tpu.memory_space<vmem>>, vector<1024x256xf32>
    tpu.vector_store %arg6[%swap3A, %swap3A_28], %max3A_27 {strides = array<i32>} : memref<1024x256xf32, #tpu.memory_space<vmem>>, vector<1024x256xf32>,
    return
  }
  func.func @transform_0(%arg0: i32) -> (i32, i32) {
    %c0_i32 = arith.constant 0 : i32
    %c0_i32_0 = arith.constant 0 : i32
    return %arg0, %c0_i32 : i32, i32
  }
  func.func @transform_1(%arg0: i32) -> (i32, i32) {
    %c0_i32 = arith.constant 0 : i32
    %c0_i32_0 = arith.constant 0 : i32
    %c0_i32_1 = arith.constant 0 : i32
    return %c0_i32, %c0_i32_0 : i32, i32
  }
  func.func @transform_2(%arg0: i32) -> (i32, i32) {
    %c0_i32 = arith.constant 0 : i32
    %c0_i32_0 = arith.constant 0 : i32
    %c0_i32_1 = arith.constant 0 : i32
    return %c0_i32, %c0_i32_0 : i32, i32
  }
  func.func @transform_3(%arg0: i32) -> (i32, i32) {
    %c0_i32 = arith.constant 0 : i32
    %c0_i32_0 = arith.constant 0 : i32
    %c0_i32_1 = arith.constant 0 : i32
    return %c0_i32, %c0_i32_0 : i32, i32
  }
  func.func @transform_4(%arg0: i32) -> (i32, i32) {
    %c0_i32 = arith.constant 0 : i32
    %c0_i32_0 = arith.constant 0 : i32
    %c0_i32_1 = arith.constant 0 : i32
    return %c0_i32, %c0_i32_0 : i32, i32
  }
  func.func @transform_5(%arg0: i32) -> (i32, i32) {
    %c0_i32 = arith.constant 0 : i32
    %c0_i32_0 = arith.constant 0 : i32
    return %arg0, %c0_i32 : i32, i32
  }
}

</mosaic_0001>

<sc_bundles>
// kernel: kernel.6.cloned.1.call-start
scs
__scs_entry_jumppad:
0x0: {  	(pc) =	sbr.rel $0x88, $3  }
0x1: {  	(tag) =	ssettag $0x0;
	lr =	simm.s32 $0x1  }
0x2: {  	[smem:$0x3F97] =	sst lr;
	_ =	strace $0xD0000000  }
0x3: {  	_ = 	snop  }
0x4: {  	_ = 	snop  }
0x5: {  	_ = 	snop  }
0x6: {  	_ = 	snop  }
0x7: {  	_ = 	snop  }
__scs_overlays_trampoline_lowered:
0x8: {  	[smem:$0x3FA6] =	sst s0  }
0x9: {  	[smem:$0x3FA7] =	sst s1  }
0xa: {  	[smem:$0x3FA8] =	sst s2  }
0xb: {  	[smem:$0x3FA9] =	sst s3  }
0xc: {  	[smem:$0x3FAA] =	sst s4  }
0xd: {  	[smem:$0x3FAB] =	sst s5  }
0xe: {  	[smem:$0x3FAC] =	sst s6  }
0xf: {  	[smem:$0x3FAD] =	sst s7  }
0x10: {  	[smem:$0x3FAE] =	sst s8  }
0x11: {  	[smem:$0x3FAF] =	sst s9;
	s0 =	simm.s32 @!p0 $0x0  }
0x12: {  	s1 =	sld [smem:$0x3F95];
	s0 =	simm.s32 @p0 $0x1  }
0x13: {  	[smem:$0x3FB0] =	sst s0;
	s0 =	simm.s32 @!p1 $0x0  }
0x14: {  	s2 =	sld [smem:$0x3F94];
	s0 =	simm.s32 @p1 $0x1  }
0x15: {  	[smem:$0x3FB1] =	sst s0;
	s0 =	simm.s32 @!p2 $0x0  }
0x16: {  	s3 =	sld [smem:$0x3FDB];
	s0 =	simm.s32 @p2 $0x1  }
0x17: {  	s4 =	simm.s32 $0x1BF5;
	[smem:$0x3FB3] =	sst s0  }
0x18: {  	s0 =	sld [smem:$0x3F96];
	_ =	swait.ge [sflag:s4], $0x0  }
0x19: {  	s7 =	sld [smem:$0x3F97]  }
0x1a: {  	s8 =	sadd.s32 $0xFFFFE003, lr  }
0x1b: {  	s9 =	sadd.s32 $0xFFFFFEF7, lr;
	s5 =	simm.s32 $0xFFFFFFFF;
	p2 =	slt.u32 s8, $0xFFFFF086  }
0x1c: {  	p1 =	slt.u32 s9, $0xF7A;
	s5 =	simm.s32 @!p2 $0x0  }
0x1d: {  	s5 =	simm.s32 @p1 $0x1;
	p0 =	seq.s32 s7, s2  }
0x1e: {  	s7 =	smul.u32 @!p0 $0xF7A, s2;
	p2 =	seq.s32 @!p0 s5, $0x0  }
0x1f: {  	s9 =	smul.u32 $0xF7A, s1;
	s8 =	simm.s32 @!p0 $0x1BF5;
	p2 =	por !p2, p0  }
0x20: {  	[sflag:s8] =	ssyncset.s32 @!p0 $0xFFFFF086;
	s6 =	sadd.s32 @!p0 s3, s7;
	s7 =	simm.s32 @!p0 $0x108  }
0x21: {  	s3 =	sadd.s32 s3, s9;
	s6 =	sadd.s32 @!p0 $0x88, s6;
	s7 =	simm.s32 @p2 $0x1082  }
0x22: {  	[simem:s7], [sflag:s8] =	dma.local @!p0 [hbm:s6], $0xF7A  }
0x23: {  	s9 =	sor.u32 $0xD0000000, s2;
	s6 =	simm.s32 $0x108;
	_ =	swait.ge @!p0 [sflag:s8], $0x0  }
0x24: {  	s3 =	sadd.s32 $0x88, s3;
	s6 =	simm.s32 @!p1 $0x1082;
	[sflag:s4] =	ssyncset.s32 $0xFFFFF086  }
0x25: {  	[simem:s6], [sflag:s4] =	dma.local [hbm:s3], $0xF7A  }
0x26: {  	[smem:$0x3F97] =	sst s1;
	(tag) =	ssettag s2;
	_ =	strace s9  }
0x27: {  	s1 =	sld [smem:$0x3FA7]  }
0x28: {  	s2 =	sld [smem:$0x3FA8]  }
0x29: {  	s4 =	sld [smem:$0x3FAA]  }
0x2a: {  	p0 =	seq.s32 s5, $0x0;
	s5 =	sld [smem:$0x3FAB]  }
0x2b: {  	s6 =	sld [smem:$0x3FAC]  }
0x2c: {  	s7 =	sld [smem:$0x3FAD]  }
0x2d: {  	s3 =	simm.s32 $0x108;
	s8 =	sld [smem:$0x3FAE]  }
0x2e: {  	s3 =	simm.s32 @!p0 $0x1082;
	s9 =	sld [smem:$0x3FAF]  }
0x2f: {  	lr =	sadd.s32 s0, s3;
	s0 =	sld [smem:$0x3FA6]  }
0x30: {  	s3 =	sld [smem:$0x3FA9]  }
0x31: {  	[smem:$0x3FB2] =	sst s10  }
0x32: {  	s10 =	sld [smem:$0x3FB0];
	_ =	sdelay $0x3  }
0x33: {  	p0 =	seq.s32 s10, $0x1;
	s10 =	sld [smem:$0x3FB2];
	_ =	sdelay $0x3  }
0x34: {  	[smem:$0x3FB2] =	sst s10  }
0x35: {  	s10 =	sld [smem:$0x3FB1];
	_ =	sdelay $0x3  }
0x36: {  	p1 =	seq.s32 s10, $0x1;
	s10 =	sld [smem:$0x3FB2];
	_ =	sdelay $0x3  }
0x37: {  	[smem:$0x3FB2] =	sst s10  }
0x38: {  	s10 =	sld [smem:$0x3FB3]  }
0x39: {  	_ = 	snop;
	(pc) =	sbr.ind lr, $3  }
0x3a: {  	_ = 	snop  }
0x3b: {  	_ = 	snop  }
0x3c: {  	p2 =	seq.s32 s10, $0x1;
	s10 =	sld [smem:$0x3FB2]  }
0x3d: {  	_ =	shalt  }
0x3e: {  	_ =	shalt  }
0x3f: {  	_ =	shalt  }
0x40: {  	_ =	shalt  }
0x41: {  	_ =	shalt  }
0x42: {  	_ =	shalt  }
0x43: {  	_ =	shalt  }
0x44: {  	_ =	shalt  }
0x45: {  	_ =	shalt  }
0x46: {  	_ =	shalt  }
0x47: {  	_ =	shalt  }
0x48: {  	_ =	shalt  }
0x49: {  	_ =	shalt  }
0x4a: {  	_ =	shalt  }
0x4b: {  	_ =	shalt  }
0x4c: {  	_ =	shalt  }
0x4d: {  	_ =	shalt  }
0x4e: {  	_ =	shalt  }
0x4f: {  	_ =	shalt  }
0x50: {  	_ =	shalt  }
0x51: {  	_ =	shalt  }
0x52: {  	_ =	shalt  }
0x53: {  	_ =	shalt  }
0x54: {  	_ =	shalt  }
0x55: {  	_ =	shalt  }
0x56: {  	_ =	shalt  }
0x57: {  	_ =	shalt  }
0x58: {  	_ =	shalt  }
0x59: {  	_ =	shalt  }
0x5a: {  	_ =	shalt  }
0x5b: {  	_ =	shalt  }
0x5c: {  	_ =	shalt  }
0x5d: {  	_ =	shalt  }
0x5e: {  	_ =	shalt  }
0x5f: {  	_ =	shalt  }
0x60: {  	_ =	shalt  }
0x61: {  	_ =	shalt  }
0x62: {  	_ =	shalt  }
0x63: {  	_ =	shalt  }
0x64: {  	_ =	shalt  }
0x65: {  	_ =	shalt  }
0x66: {  	_ =	shalt  }
0x67: {  	_ =	shalt  }
0x68: {  	_ =	shalt  }
0x69: {  	_ =	shalt  }
0x6a: {  	_ =	shalt  }
0x6b: {  	_ =	shalt  }
0x6c: {  	_ =	shalt  }
0x6d: {  	_ =	shalt  }
0x6e: {  	_ =	shalt  }
0x6f: {  	_ =	shalt  }
0x70: {  	_ =	shalt  }
0x71: {  	_ =	shalt  }
0x72: {  	_ =	shalt  }
0x73: {  	_ =	shalt  }
0x74: {  	_ =	shalt  }
0x75: {  	_ =	shalt  }
0x76: {  	_ =	shalt  }
0x77: {  	_ =	shalt  }
0x78: {  	_ =	shalt  }
0x79: {  	_ =	shalt  }
0x7a: {  	_ =	shalt  }
0x7b: {  	_ =	shalt  }
0x7c: {  	_ =	shalt  }
0x7d: {  	_ =	shalt  }
0x7e: {  	_ =	shalt  }
0x7f: {  	_ =	shalt  }
0x80: {  	_ =	shalt  }
0x81: {  	_ =	shalt  }
0x82: {  	_ =	shalt  }
0x83: {  	_ =	shalt  }
0x84: {  	_ =	shalt  }
0x85: {  	_ =	shalt  }
0x86: {  	_ =	shalt  }
0x87: {  	_ =	shalt  }
.Lfunc_end0:
.L_simem_size_0:
called_computation_lowered:
.L_overlay_start_0:
0x88: {  	s2 =	sld [smem:$0x3FD9]  }
0x89: {  	s3 =	sld [smem:$0x3FFE];
	_ =	sdelay $0x1  }
0x8a: {  	s1 =	srdreg.scid  }
0x8b: {  	s0 =	sand.u32 $0x1, s1  }
0x8c: {  	s14 =	sshll.u32 s0, $0xA;
	s2 =	sadd.s32 s3, s2  }
0x8d: {  	s2 =	sadd.s32 s2, s14  }
0x8e: {  	[smem:$0x3FBE] =	sst s2  }
0x8f: {  	_ = 	snop  }
0x90: {  	s2 =	sld [smem:$0x3FD0];
	_ =	sdelay $0x2  }
0x91: {  	s15 =	simm.s32 $0xA;
	s4 =	simm.s32 $0x10  }
0x92: {  	[smem:s4], [sflag:s15] =	dma.local [hbm:s2], $0x1  }
0x93: {  	_ =	swait.eq [sflag:s15], $0x1  }
0x94: {  	s16 =	sld [smem:$0x10];
	[sflag:s15] =	ssyncset.done $0x0  }
0x95: {  	s17 =	sld [smem:$0x11];
	[sflag:s15] =	ssyncadd.s32 $0xFFFFFFFF  }
0x96: {  	s18 =	sld [smem:$0x13];
	(tm) =	ssettm $0x1  }
0x97: {  	s5 =	sld [smem:$0x3FFB];
	_ =	sdelay $0x3  }
0x98: {  	_ =	strace s5  }
0x99: {  	s5 =	sld [smem:$0x3FFC];
	_ =	sdelay $0x3  }
0x9a: {  	_ =	strace s5  }
0x9b: {  	s5 =	sld [smem:$0x3FFD];
	_ =	sdelay $0x3  }
0x9c: {  	_ =	strace s5  }
0x9d: {  	_ =	strace $0x8FFFFFFF  }
0x9e: {  	s19 =	sld [smem:$0x3FDB];
	_ =	sdelay $0x1  }
0x9f: {  	s6 =	simm.s32 $_scs_section_size  }
0xa0: {  	s7 =	simm.s32 $_size__tile_overlayer_lowered;
	s8 =	simm.s32 $_tile_overlayer_lowered  }
0xa1: {  	s22 =	simm.s32 $0x1BFF;
	s21 =	sshll.u32 s8, $0x1;
	s5 =	sadd.s32 s6, s19  }
0xa2: {  	s9 =	simm.s32 $0x0;
	s20 =	sshll.u32 s7, $0x1;
	s7 =	sadd.s32 s21, s5  }
0xa3: {  	[timem:s9], [sflag:s22] =	dma.local [hbm:s7], s20  }
0xa4: {  	_ =	swait.ge [sflag:s22], s20  }
0xa5: {  	s6 =	ssub.s32 $0x0, s20;
	[sflag:s22] =	ssyncset.done $0x0  }
0xa6: {  	[sflag:s22] =	ssyncadd.s32 s6;
	_ =	sdelay $0x1  }
0xa7: {  	s23 =	simm.s32 $0x1B8B  }
0xa8: {  	_ =	swait.ge [sflag:s23], $0x1  }
0xa9: {  	[sflag:s23] =	ssyncset.done $0x0  }
0xaa: {  	s25 =	simm.s32 $0x1B8E;
	s24 =	sld [smem:$0x3FFE];
	[sflag:s23] =	ssyncadd.s32 $0xFFFFFFFF  }
0xab: {  	s26 =	simm.s32 $execute0_lowered;
	[smem:$0x3FD2] =	sst s25  }
0xac: {  	s7 =	sshll.u32 s26, $0x1;
	_ =	strace $0x80000046;
	[dreg:$0x1] =	wrdreg $0xFFFFFFFF  }
0xad: {  	s28 =	simm.s32 $_size_execute0_lowered;
	s5 =	sadd.s32 s5, s7;
	[dreg:$0x0] =	wrdreg $0x0  }
0xae: {  	s7 =	sshll.u32 s28, $0x1;
	[dreg:$0x2] =	wrdreg s5  }
0xaf: {  	[dreg:$0x3] =	wrdreg s7  }
0xb0: {  	[dreg:$0x4] =	wrdreg $0xC0  }
0xb1: {  	_ =	task [dreg:s9], $0x5FFFF  }
0xb2: {  	[dreg:$0x1] =	wrdreg $0xFFFFFFFF  }
0xb3: {  	[dreg:$0x0] =	wrdreg $0x60  }
0xb4: {  	[dreg:$0x2] =	wrdreg s24  }
0xb5: {  	[dreg:$0x3] =	wrdreg s17  }
0xb6: {  	[dreg:$0x4] =	wrdreg s16  }
0xb7: {  	[dreg:$0x5] =	wrdreg s18  }
0xb8: {  	[dreg:$0x6] =	wrdreg $0x9  }
0xb9: {  	_ =	task.clear_ibuf [dreg:s9], $0x7FFFF;
	_ =	strace $0x90000046  }
0xba: {  	s29 =	simm.s32 $0x9;
	_ =	strace $0x80000048  }
0xbb: {  	_ =	swait.ge [sflag:s29], $0x1  }
0xbc: {  	[sflag:s29] =	ssyncadd.s32 $0xFFFFFFFF  }
0xbd: {  	_ =	strace $0x90000048  }
0xbe: {  	_ =	sfence  }
0xbf: {  	s30 =	sld [smem:$0x0];
	_ =	sdelay $0x2  }
0xc0: {  	s31 =	sshll.u32 s1, $0xD;
	s1 =	sshrl.u32 s1, $0x2  }
0xc1: {  	s3 =	sand.u32 $0x4000, s31;
	s1 =	sadd.s32 s1, s30  }
0xc2: {  	s0 =	sor.u32 s3, s0;
	s1 =	sshll.u32 s1, $0x11  }
0xc3: {  	s0 =	sor.u32 s1, s0  }
0xc4: {  	s0 =	sadd.s32 $0x8F2B, s0  }
0xc5: {  	[sflag:s0] =	ssyncadd.remote.s32 $0x1  }
0xc6: {  	_ =	sfence.sel $0xFFFF  }
0xc7: {  	[dreg:$0x0] =	wrdreg $0xFFFFFFFF;
	(pc) =	sbr.abs _section_cstart, $3  }
0xc8: {  	[dreg:$0x1] =	wrdreg $0xFFFFFFFF  }
0xc9: {  	_ =	task.clear_ibuf [dreg:s9], $0x2FFFF;
	_ =	strace $0x9FFFFFFF  }
0xca: {  	(tm) =	ssettm $0x7FFFFFFF  }
0xcb: {  	_ =	shalt  }
tec
execute0_lowered:
.L_overlay_start_1:
0x0: {  	(tag) =	ssettag $0x1  }
0x1: {  	s0 =	rddreg [dreg:$0x0]  }
0x2: {  	s1 =	rddreg [dreg:$0x1]  }
0x3: {  	s4 =	rddreg [dreg:$0x2]  }
0x4: {  	s5 =	rddreg [dreg:$0x3]  }
0x5: {  	s2 =	simm.s32 $0x0;
	s14 =	stileid.u32;
	s3 =	srdreg.scid  }
0x6: {  	s15 =	simm.s32 $0x3;
	s16 =	simm.s32 $0x11000;
	s31 =	simm.s32 $0x2800  }
0x7: {  	s28 =	simm.s32 $0x10800;
	s29 =	simm.s32 $0x1;
	[smem:$0x7FF] =	sst s2  }
0x8: {  	s6 =	sshrl.u32 s14, $0x1;
	s8 =	sand.u32 $0x1, s3;
	s9 =	sshll.u32 s14, $0x1  }
0x9: {  	s3 =	sadd.s32 $0x9400, s0;
	s23 =	sshll.u32 s14, $0x12;
	_ =	strace $0x80000047  }
0xa: {  	s7 =	sshll.u32 s6, $0x9;
	s9 =	sor.u32 s8, s9;
	s12 =	ssub.s32 $0x2, s8  }
0xb: {  	s30 =	sshll.u32 s6, $0xC;
	s25 =	sshll.u32 s8, $0x11;
	s8 =	simm.s32 $0x6800  }
0xc: {  	s7 =	sadd.s32 s7, s0;
	s10 =	sshll.u32 s9, $0x9;
	s11 =	sshll.u32 s9, $0x4  }
0xd: {  	s17 =	sshrl.u32 s12, $0x1;
	s9 =	sshll.u32 s9, $0xC;
	v0 =	vmov s30;
	s30 =	simm.s32 $0x2  }
0xe: {  	s13 =	sadd.s32 s10, s0;
	s0 =	sadd.s32 s11, s0;
	s11 =	ssub.s32 s12, s17  }
0xf: {  	s19 =	sadd.s32 $0x2400, s7;
	s4 =	sadd.s32 s4, s10;
	s20 =	sadd.s32 $0x3400, s7  }
0x10: {  	s21 =	sadd.s32 $0x4400, s7;
	s24 =	sadd.s32 s5, s9;
	[dreg:$0x6] =	wrdreg s19  }
0x11: {  	s17 =	simm.s32 $0x12000;
	s7 =	simm.s32 $0x9000;
	[dreg:$0x8] =	wrdreg s20  }
0x12: {  	s5 =	simm.s32 $0x0;
	s9 =	simm.s32 $0x4000;
	[dreg:$0x9] =	wrdreg s21  }
0x13: {  	s10 =	simm.s32 $0x4800;
	s12 =	simm.s32 $0x6000;
	[dreg:$0x7] =	wrdreg s4  }
0x14: {  	s18 =	sadd.s32 $0x5400, s13;
	s22 =	sadd.s32 $0x4000, s4;
	[dreg:$0xd] =	wrdreg s24  }
0x15: {  	s4 =	sadd.s32 $0x8000, s4;
	s0 =	sadd.s32 $0x2200, s0;
	[dreg:$0x5] =	wrdreg s18  }
0x16: {  	s26 =	smax.u32 s11, $0x1;
	s19 =	simm.s32 $0x1000;
	[dreg:$0xa] =	wrdreg s22  }
0x17: {  	s24 =	simm.s32 $0xF000;
	s11 =	simm.s32 $0x5800;
	[dreg:$0xb] =	wrdreg s4  }
0x18: {  	s13 =	simm.s32 $0x7000;
	[dreg:$0xc] =	wrdreg s0;
	s0 =	sadd.s32 s23, s1  }
0x19: {  	v3 =	vlaneseq.u32;
	[dreg:$0xe] =	wrdreg s26;
	s18 =	simm.s32 $0x13000;
	s1 =	simm.s32 $0x1800  }
0x1a: {  	vm0 =	vmmov $0xffff;
	v2 =	vshrl.u32 v3, $0x3;
	s4 =	simm.s32 $0x2000;
	s22 =	simm.s32 $0xE000;
	s23 =	simm.s32 $0xE800  }
0x1b: {  	v1 =	vand.u32 $0x7, v3;
	v3 =	vor.u32 $0x8, v3;
	v2 =	vmul.u32 $0x8, v2;
	s26 =	simm.s32 $0x10000;
	s14 =	sadd.s32 s25, s0;
	s25 =	simm.s32 $0xF800  }
.LBB2_1:
0x1c: {  	[dreg:$0xf] =	wrdreg s5  }
0x1d: {  	s0 =	rddreg [dreg:$0x5]  }
0x1e: {  	[tilespmem:s2], [sflag:$0x3] =	stream.linear.gather [hbm4b:s0+s2], $0x1000, $0x38;
	[tilespmem:$0x17080] =	vst v63  }
0x1f: {  	_ =	swait.ge [sflag:s15], $0x1000  }
0x20: {  	[sflag:s15] =	ssyncset.done $0x0  }
0x21: {  	s6 =	rddreg [dreg:$0x6];
	[sflag:s15] =	ssyncadd.s32 $0xFFFFF000  }
0x22: {  	[tilespmem:s16], [sflag:$0x3] =	stream.linear.gather [hbm4b:s6+s2], $0x1000, $0x38;
	[tilespmem:$0x17080] =	vst v63  }
0x23: {  	_ =	swait.ge [sflag:s15], $0x1000  }
0x24: {  	[sflag:s15] =	ssyncset.done $0x0  }
0x25: {  	s20 =	rddreg [dreg:$0x8];
	[sflag:s15] =	ssyncadd.s32 $0xFFFFF000  }
0x26: {  	[tilespmem:s17], [sflag:$0x3] =	stream.linear.gather [hbm4b:s20+s2], $0x1000, $0x38;
	[tilespmem:$0x17080] =	vst v63  }
0x27: {  	_ =	swait.ge [sflag:s15], $0x1000  }
0x28: {  	[sflag:s15] =	ssyncset.done $0x0  }
0x29: {  	s21 =	rddreg [dreg:$0x9];
	[sflag:s15] =	ssyncadd.s32 $0xFFFFF000  }
0x2a: {  	[tilespmem:s18], [sflag:$0x3] =	stream.linear.gather [hbm4b:s21+s2], $0x1000, $0x38;
	[tilespmem:$0x17080] =	vst v63  }
0x2b: {  	_ =	swait.ge [sflag:s15], $0x1000  }
0x2c: {  	[sflag:s15] =	ssyncset.done $0x0  }
0x2d: {  	[sflag:s15] =	ssyncadd.s32 $0xFFFFF000  }
0x2e: {  	v4 =	vld [tilespmem:$0x0];
	_ =	sdelay $0x4  }
0x2f: {  	v5 =	vshll.u32 v4, $0x1  }
0x30: {  	v4 =	vand.u32 $0x7, v4;
	v5 =	vand.u32 $0xFFFFFFF0, v5  }
0x31: {  	v4 =	vor.u32 v4, v5  }
0x32: {  	v5 =	vperm.xlane v4, v1;
	_ =	sdelay $0x1  }
0x33: {  	v4 =	vperm.xlane v4, v3;
	v5 =	vadd.s32 v2, v5;
	_ =	sdelay $0x1  }
0x34: {  	v4 =	vadd.s32 v2, v4;
	_ =	sdelay $0x2  }
0x35: {  	[tilespmem:s19], [sflag:$0x1] =	stream.indirect_vreg.gather [hbm4b:s3+s2], $0x80, v5, vm0, $0xb8;
	[tilespmem:$0x17080] =	vst v63  }
0x36: {  	_ = 	snop  }
0x37: {  	[tilespmem:s1], [sflag:$0x1] =	stream.indirect_vreg.gather [hbm4b:s3+s2], $0x80, v4, vm0, $0xb8;
	[tilespmem:$0x17080] =	vst v63  }
0x38: {  	v4 =	vld [tilespmem:$0x10];
	_ =	sdelay $0x4  }
0x39: {  	v5 =	vshll.u32 v4, $0x1  }
0x3a: {  	v4 =	vand.u32 $0x7, v4;
	v5 =	vand.u32 $0xFFFFFFF0, v5  }
0x3b: {  	v4 =	vor.u32 v4, v5  }
0x3c: {  	v5 =	vperm.xlane v4, v1;
	_ =	sdelay $0x1  }
0x3d: {  	v4 =	vperm.xlane v4, v3;
	v5 =	vadd.s32 v2, v5;
	_ =	sdelay $0x1  }
0x3e: {  	v4 =	vadd.s32 v2, v4;
	_ =	sdelay $0x2  }
0x3f: {  	[tilespmem:s4], [sflag:$0x1] =	stream.indirect_vreg.gather [hbm4b:s3+s2], $0x80, v5, vm0, $0xb8;
	[tilespmem:$0x17080] =	vst v63  }
0x40: {  	_ = 	snop  }
0x41: {  	[tilespmem:s31], [sflag:$0x1] =	stream.indirect_vreg.gather [hbm4b:s3+s2], $0x80, v4, vm0, $0xb8;
	[tilespmem:$0x17080] =	vst v63  }
0x42: {  	v4 =	vld [tilespmem:$0x20];
	_ =	sdelay $0x4  }
0x43: {  	v5 =	vshll.u32 v4, $0x1  }
0x44: {  	v4 =	vand.u32 $0x7, v4;
	v5 =	vand.u32 $0xFFFFFFF0, v5  }
0x45: {  	v4 =	vor.u32 v4, v5  }
0x46: {  	v5 =	vperm.xlane v4, v1;
	_ =	sdelay $0x1  }
0x47: {  	v4 =	vperm.xlane v4, v3;
	v5 =	vadd.s32 v2, v5;
	_ =	sdelay $0x1  }
0x48: {  	v4 =	vadd.s32 v2, v4;
	_ =	sdelay $0x1  }
0x49: {  	s5 =	simm.s32 $0x3000  }
0x4a: {  	[tilespmem:s5], [sflag:$0x1] =	stream.indirect_vreg.gather [hbm4b:s3+s2], $0x80, v5, vm0, $0xb8;
	[tilespmem:$0x17080] =	vst v63  }
0x4b: {  	s20 =	simm.s32 $0x3800  }
0x4c: {  	[tilespmem:s20], [sflag:$0x1] =	stream.indirect_vreg.gather [hbm4b:s3+s2], $0x80, v4, vm0, $0xb8;
	[tilespmem:$0x17080] =	vst v63  }
0x4d: {  	v4 =	vld [tilespmem:$0x30];
	_ =	sdelay $0x4  }
0x4e: {  	v5 =	vshll.u32 v4, $0x1  }
0x4f: {  	v4 =	vand.u32 $0x7, v4;
	v5 =	vand.u32 $0xFFFFFFF0, v5  }
0x50: {  	v4 =	vor.u32 v4, v5  }
0x51: {  	v5 =	vperm.xlane v4, v1;
	_ =	sdelay $0x1  }
0x52: {  	v4 =	vperm.xlane v4, v3;
	v5 =	vadd.s32 v2, v5;
	_ =	sdelay $0x1  }
0x53: {  	v4 =	vadd.s32 v2, v4;
	_ =	sdelay $0x1  }
0x54: {  	s21 =	simm.s32 $0x4000  }
0x55: {  	[tilespmem:s21], [sflag:$0x1] =	stream.indirect_vreg.gather [hbm4b:s3+s2], $0x80, v5, vm0, $0xb8;
	[tilespmem:$0x17080] =	vst v63  }
0x56: {  	s31 =	simm.s32 $0x4800  }
0x57: {  	[tilespmem:s31], [sflag:$0x1] =	stream.indirect_vreg.gather [hbm4b:s3+s2], $0x80, v4, vm0, $0xb8;
	[tilespmem:$0x17080] =	vst v63  }
0x58: {  	v4 =	vld [tilespmem:$0x40];
	_ =	sdelay $0x4  }
0x59: {  	v5 =	vshll.u32 v4, $0x1  }
0x5a: {  	v4 =	vand.u32 $0x7, v4;
	v5 =	vand.u32 $0xFFFFFFF0, v5  }
0x5b: {  	v4 =	vor.u32 v4, v5  }
0x5c: {  	v5 =	vperm.xlane v4, v1;
	_ =	sdelay $0x1  }
0x5d: {  	v4 =	vperm.xlane v4, v3;
	v5 =	vadd.s32 v2, v5;
	_ =	sdelay $0x1  }
0x5e: {  	v4 =	vadd.s32 v2, v4;
	_ =	sdelay $0x1  }
0x5f: {  	s6 =	simm.s32 $0x5000  }
0x60: {  	[tilespmem:s6], [sflag:$0x1] =	stream.indirect_vreg.gather [hbm4b:s3+s2], $0x80, v5, vm0, $0xb8;
	[tilespmem:$0x17080] =	vst v63  }
0x61: {  	s0 =	simm.s32 $0x5800  }
0x62: {  	[tilespmem:s0], [sflag:$0x1] =	stream.indirect_vreg.gather [hbm4b:s3+s2], $0x80, v4, vm0, $0xb8;
	[tilespmem:$0x17080] =	vst v63  }
0x63: {  	v4 =	vld [tilespmem:$0x50];
	_ =	sdelay $0x4  }
0x64: {  	v5 =	vshll.u32 v4, $0x1  }
0x65: {  	v4 =	vand.u32 $0x7, v4;
	v5 =	vand.u32 $0xFFFFFFF0, v5  }
0x66: {  	v4 =	vor.u32 v4, v5  }
0x67: {  	v5 =	vperm.xlane v4, v1;
	_ =	sdelay $0x1  }
0x68: {  	v4 =	vperm.xlane v4, v3;
	v5 =	vadd.s32 v2, v5;
	_ =	sdelay $0x1  }
0x69: {  	v4 =	vadd.s32 v2, v4;
	_ =	sdelay $0x1  }
0x6a: {  	s1 =	simm.s32 $0x6000  }
0x6b: {  	[tilespmem:s1], [sflag:$0x1] =	stream.indirect_vreg.gather [hbm4b:s3+s2], $0x80, v5, vm0, $0xb8;
	[tilespmem:$0x17080] =	vst v63  }
0x6c: {  	s4 =	simm.s32 $0x6800  }
0x6d: {  	[tilespmem:s4], [sflag:$0x1] =	stream.indirect_vreg.gather [hbm4b:s3+s2], $0x80, v4, vm0, $0xb8;
	[tilespmem:$0x17080] =	vst v63  }
0x6e: {  	v4 =	vld [tilespmem:$0x60];
	_ =	sdelay $0x4  }
0x6f: {  	v5 =	vshll.u32 v4, $0x1  }
0x70: {  	v4 =	vand.u32 $0x7, v4;
	v5 =	vand.u32 $0xFFFFFFF0, v5  }
0x71: {  	v4 =	vor.u32 v4, v5  }
0x72: {  	v5 =	vperm.xlane v4, v1;
	_ =	sdelay $0x1  }
0x73: {  	v4 =	vperm.xlane v4, v3;
	v5 =	vadd.s32 v2, v5;
	_ =	sdelay $0x1  }
0x74: {  	v4 =	vadd.s32 v2, v4;
	_ =	sdelay $0x1  }
0x75: {  	s31 =	simm.s32 $0x7000  }
0x76: {  	[tilespmem:s31], [sflag:$0x1] =	stream.indirect_vreg.gather [hbm4b:s3+s2], $0x80, v5, vm0, $0xb8;
	[tilespmem:$0x17080] =	vst v63  }
0x77: {  	s20 =	simm.s32 $0x7800  }
0x78: {  	[tilespmem:s20], [sflag:$0x1] =	stream.indirect_vreg.gather [hbm4b:s3+s2], $0x80, v4, vm0, $0xb8;
	[tilespmem:$0x17080] =	vst v63  }
0x79: {  	v4 =	vld [tilespmem:$0x70];
	_ =	sdelay $0x4  }
0x7a: {  	v5 =	vshll.u32 v4, $0x1  }
0x7b: {  	v4 =	vand.u32 $0x7, v4;
	v5 =	vand.u32 $0xFFFFFFF0, v5  }
0x7c: {  	v4 =	vor.u32 v4, v5  }
0x7d: {  	v5 =	vperm.xlane v4, v1;
	_ =	sdelay $0x1  }
0x7e: {  	v4 =	vperm.xlane v4, v3;
	v5 =	vadd.s32 v2, v5;
	_ =	sdelay $0x1  }
0x7f: {  	v4 =	vadd.s32 v2, v4  }
.Ltmp0:
0x80: {  	s5 =	simm.s32 $0x5000;
	s21 =	simm.s32 $0x8000;
	(pc) =	sbr.rel .LBB2_2-.Ltmp0, $4  }
0x81: {  	s6 =	simm.s32 $0x7800;
	s0 =	simm.s32 $0x0;
	s4 =	simm.s32 $0x8800  }
0x82: {  	[tilespmem:s21], [sflag:$0x1] =	stream.indirect_vreg.gather [hbm4b:s3+s2], $0x80, v5, vm0, $0xb8;
	[tilespmem:$0x17080] =	vst v63  }
0x83: {  	s31 =	simm.s32 $0xC0;
	s20 =	simm.s32 $0x8000;
	s21 =	simm.s32 $0x8800  }
0x84: {  	[tilespmem:s4], [sflag:$0x1] =	stream.indirect_vreg.gather [hbm4b:s3+s2], $0x80, v4, vm0, $0xb8;
	[tilespmem:$0x17080] =	vst v63  }
.LBB2_4:
0x85: {  	_ =	swait.ge [sflag:s30], $0x8000;
	s0 =	sadd.s32 $0x2000, s0  }
0x86: {  	s1 =	sadd.s32 $0x1000, s1;
	[sflag:s30] =	ssyncset.done $0x0;
	p0 =	sne.s32 s0, $0x20000  }
.Ltmp1:
0x87: {  	s4 =	simm.s32 $0x0;
	[sflag:s30] =	ssyncadd.s32 $0xFFFF8000;
	(pc) =	sbr.rel @!p0 .LBB2_5-.Ltmp1, $4  }
0x88: {  	[hbm4b:s1+s4] =	stream.linear.scatter [tilespmem:s7], [sflag:$0x3], $0x8000, $0x38;
	[tilespmem:$0x17080] =	vst v63  }
0x89: {  	_ =	swait.ge [sflag:s15], $0x8000  }
0x8a: {  	[sflag:s15] =	ssyncset.done $0x0  }
0x8b: {  	s31 =	sadd.s32 $0x100, s31;
	[sflag:s15] =	ssyncadd.s32 $0xFFFF8000  }
.LBB2_2:
0x8c: {  	v4 =	vld [tilespmem:s31+$0xFFFFFFC0];
	_ =	sdelay $0x4  }
0x8d: {  	v5 =	vshll.u32 v4, $0x1  }
0x8e: {  	v4 =	vand.u32 $0x7, v4;
	v5 =	vand.u32 $0xFFFFFFF0, v5  }
0x8f: {  	v4 =	vor.u32 v4, v5  }
0x90: {  	v5 =	vperm.xlane v4, v1;
	_ =	sdelay $0x1  }
0x91: {  	v4 =	vperm.xlane v4, v3;
	v5 =	vadd.s32 v2, v5;
	_ =	sdelay $0x1  }
0x92: {  	v4 =	vadd.s32 v2, v4;
	_ =	sdelay $0x2  }
0x93: {  	[tilespmem:s7], [sflag:$0x2] =	stream.indirect_vreg.gather [hbm4b:s3+s2], $0x80, v5, vm0, $0xb8;
	[tilespmem:$0x17080] =	vst v63  }
0x94: {  	s1 =	simm.s32 $0x9800  }
0x95: {  	[tilespmem:s1], [sflag:$0x2] =	stream.indirect_vreg.gather [hbm4b:s3+s2], $0x80, v4, vm0, $0xb8;
	[tilespmem:$0x17080] =	vst v63  }
0x96: {  	v4 =	vld [tilespmem:s31+$0xFFFFFFD0];
	_ =	sdelay $0x4  }
0x97: {  	v5 =	vshll.u32 v4, $0x1  }
0x98: {  	v4 =	vand.u32 $0x7, v4;
	v5 =	vand.u32 $0xFFFFFFF0, v5  }
0x99: {  	v4 =	vor.u32 v4, v5  }
0x9a: {  	v5 =	vperm.xlane v4, v1;
	_ =	sdelay $0x1  }
0x9b: {  	v4 =	vperm.xlane v4, v3;
	v5 =	vadd.s32 v2, v5;
	_ =	sdelay $0x1  }
0x9c: {  	v4 =	vadd.s32 v2, v4;
	_ =	sdelay $0x1  }
0x9d: {  	s4 =	simm.s32 $0xA000  }
0x9e: {  	[tilespmem:s4], [sflag:$0x2] =	stream.indirect_vreg.gather [hbm4b:s3+s2], $0x80, v5, vm0, $0xb8;
	[tilespmem:$0x17080] =	vst v63  }
0x9f: {  	s4 =	simm.s32 $0xA800  }
0xa0: {  	[tilespmem:s4], [sflag:$0x2] =	stream.indirect_vreg.gather [hbm4b:s3+s2], $0x80, v4, vm0, $0xb8;
	[tilespmem:$0x17080] =	vst v63  }
0xa1: {  	v4 =	vld [tilespmem:s31+$0xFFFFFFE0];
	_ =	sdelay $0x4  }
0xa2: {  	v5 =	vshll.u32 v4, $0x1  }
0xa3: {  	v4 =	vand.u32 $0x7, v4;
	v5 =	vand.u32 $0xFFFFFFF0, v5  }
0xa4: {  	v4 =	vor.u32 v4, v5  }
0xa5: {  	v5 =	vperm.xlane v4, v1;
	_ =	sdelay $0x1  }
0xa6: {  	v4 =	vperm.xlane v4, v3;
	v5 =	vadd.s32 v2, v5;
	_ =	sdelay $0x1  }
0xa7: {  	v4 =	vadd.s32 v2, v4;
	_ =	sdelay $0x1  }
0xa8: {  	s4 =	simm.s32 $0xB000  }
0xa9: {  	[tilespmem:s4], [sflag:$0x2] =	stream.indirect_vreg.gather [hbm4b:s3+s2], $0x80, v5, vm0, $0xb8;
	[tilespmem:$0x17080] =	vst v63  }
0xaa: {  	s4 =	simm.s32 $0xB800  }
0xab: {  	[tilespmem:s4], [sflag:$0x2] =	stream.indirect_vreg.gather [hbm4b:s3+s2], $0x80, v4, vm0, $0xb8;
	[tilespmem:$0x17080] =	vst v63  }
0xac: {  	v4 =	vld [tilespmem:s31+$0xFFFFFFF0];
	_ =	sdelay $0x4  }
0xad: {  	v5 =	vshll.u32 v4, $0x1  }
0xae: {  	v4 =	vand.u32 $0x7, v4;
	v5 =	vand.u32 $0xFFFFFFF0, v5  }
0xaf: {  	v4 =	vor.u32 v4, v5  }
0xb0: {  	v5 =	vperm.xlane v4, v1;
	_ =	sdelay $0x1  }
0xb1: {  	v4 =	vperm.xlane v4, v3;
	v5 =	vadd.s32 v2, v5;
	_ =	sdelay $0x1  }
0xb2: {  	v4 =	vadd.s32 v2, v4;
	_ =	sdelay $0x1  }
0xb3: {  	s4 =	simm.s32 $0xC000  }
0xb4: {  	[tilespmem:s4], [sflag:$0x2] =	stream.indirect_vreg.gather [hbm4b:s3+s2], $0x80, v5, vm0, $0xb8;
	[tilespmem:$0x17080] =	vst v63  }
0xb5: {  	s4 =	simm.s32 $0xC800  }
0xb6: {  	[tilespmem:s4], [sflag:$0x2] =	stream.indirect_vreg.gather [hbm4b:s3+s2], $0x80, v4, vm0, $0xb8;
	[tilespmem:$0x17080] =	vst v63  }
0xb7: {  	v4 =	vld [tilespmem:s31+$0x0];
	_ =	sdelay $0x4  }
0xb8: {  	v5 =	vshll.u32 v4, $0x1  }
0xb9: {  	v4 =	vand.u32 $0x7, v4;
	v5 =	vand.u32 $0xFFFFFFF0, v5  }
0xba: {  	v4 =	vor.u32 v4, v5  }
0xbb: {  	v5 =	vperm.xlane v4, v1;
	_ =	sdelay $0x1  }
0xbc: {  	v4 =	vperm.xlane v4, v3;
	v5 =	vadd.s32 v2, v5;
	_ =	sdelay $0x1  }
0xbd: {  	v4 =	vadd.s32 v2, v4;
	_ =	sdelay $0x1  }
0xbe: {  	s4 =	simm.s32 $0xD000  }
0xbf: {  	[tilespmem:s4], [sflag:$0x2] =	stream.indirect_vreg.gather [hbm4b:s3+s2], $0x80, v5, vm0, $0xb8;
	[tilespmem:$0x17080] =	vst v63  }
0xc0: {  	s4 =	simm.s32 $0xD800  }
0xc1: {  	[tilespmem:s4], [sflag:$0x2] =	stream.indirect_vreg.gather [hbm4b:s3+s2], $0x80, v4, vm0, $0xb8;
	[tilespmem:$0x17080] =	vst v63  }
0xc2: {  	v4 =	vld [tilespmem:s31+$0x10];
	_ =	sdelay $0x4  }
0xc3: {  	v5 =	vshll.u32 v4, $0x1  }
0xc4: {  	v4 =	vand.u32 $0x7, v4;
	v5 =	vand.u32 $0xFFFFFFF0, v5  }
0xc5: {  	v4 =	vor.u32 v4, v5  }
0xc6: {  	v5 =	vperm.xlane v4, v1;
	_ =	sdelay $0x1  }
0xc7: {  	v4 =	vperm.xlane v4, v3;
	v5 =	vadd.s32 v2, v5;
	_ =	sdelay $0x1  }
0xc8: {  	v4 =	vadd.s32 v2, v4;
	_ =	sdelay $0x2  }
0xc9: {  	[tilespmem:s22], [sflag:$0x2] =	stream.indirect_vreg.gather [hbm4b:s3+s2], $0x80, v5, vm0, $0xb8;
	[tilespmem:$0x17080] =	vst v63  }
0xca: {  	_ = 	snop  }
0xcb: {  	[tilespmem:s23], [sflag:$0x2] =	stream.indirect_vreg.gather [hbm4b:s3+s2], $0x80, v4, vm0, $0xb8;
	[tilespmem:$0x17080] =	vst v63  }
0xcc: {  	v4 =	vld [tilespmem:s31+$0x20];
	_ =	sdelay $0x4  }
0xcd: {  	v5 =	vshll.u32 v4, $0x1  }
0xce: {  	v4 =	vand.u32 $0x7, v4;
	v5 =	vand.u32 $0xFFFFFFF0, v5  }
0xcf: {  	v4 =	vor.u32 v4, v5  }
0xd0: {  	v5 =	vperm.xlane v4, v1;
	_ =	sdelay $0x1  }
0xd1: {  	v4 =	vperm.xlane v4, v3;
	v5 =	vadd.s32 v2, v5;
	_ =	sdelay $0x1  }
0xd2: {  	v4 =	vadd.s32 v2, v4;
	_ =	sdelay $0x2  }
0xd3: {  	[tilespmem:s24], [sflag:$0x2] =	stream.indirect_vreg.gather [hbm4b:s3+s2], $0x80, v5, vm0, $0xb8;
	[tilespmem:$0x17080] =	vst v63  }
0xd4: {  	_ = 	snop  }
0xd5: {  	[tilespmem:s25], [sflag:$0x2] =	stream.indirect_vreg.gather [hbm4b:s3+s2], $0x80, v4, vm0, $0xb8;
	[tilespmem:$0x17080] =	vst v63  }
0xd6: {  	v4 =	vld [tilespmem:s31+$0x30];
	_ =	sdelay $0x4  }
0xd7: {  	v5 =	vshll.u32 v4, $0x1  }
0xd8: {  	v4 =	vand.u32 $0x7, v4;
	v5 =	vand.u32 $0xFFFFFFF0, v5  }
0xd9: {  	v4 =	vor.u32 v4, v5  }
0xda: {  	v5 =	vperm.xlane v4, v1;
	_ =	sdelay $0x1  }
0xdb: {  	v4 =	vperm.xlane v4, v3;
	v5 =	vadd.s32 v2, v5;
	_ =	sdelay $0x1  }
0xdc: {  	v4 =	vadd.s32 v2, v4;
	_ =	sdelay $0x2  }
0xdd: {  	[tilespmem:s26], [sflag:$0x2] =	stream.indirect_vreg.gather [hbm4b:s3+s2], $0x80, v5, vm0, $0xb8;
	[tilespmem:$0x17080] =	vst v63  }
0xde: {  	_ = 	snop  }
0xdf: {  	[tilespmem:s28], [sflag:$0x2] =	stream.indirect_vreg.gather [hbm4b:s3+s2], $0x80, v4, vm0, $0xb8;
	[tilespmem:$0x17080] =	vst v63  }
0xe0: {  	_ =	swait.ge [sflag:s29], $0x8000  }
0xe1: {  	p0 =	seq.s32 s0, $0x1E000;
	[sflag:s29] =	ssyncset.done $0x0  }
.Ltmp2:
0xe2: {  	s1 =	sadd.s32 s0, s14;
	[sflag:s29] =	ssyncadd.s32 $0xFFFF8000;
	(pc) =	sbr.rel @p0 .LBB2_4-.Ltmp2, $4  }
0xe3: {  	[hbm4b:s1+s2] =	stream.linear.scatter [tilespmem:s19], [sflag:$0x3], $0x8000, $0x38;
	[tilespmem:$0x17080] =	vst v63  }
0xe4: {  	_ =	swait.ge [sflag:s15], $0x8000  }
0xe5: {  	[sflag:s15] =	ssyncset.done $0x0  }
0xe6: {  	[sflag:s15] =	ssyncadd.s32 $0xFFFF8000  }
0xe7: {  	v4 =	vld [tilespmem:s31+$0x40];
	_ =	sdelay $0x4  }
0xe8: {  	v5 =	vshll.u32 v4, $0x1  }
0xe9: {  	v4 =	vand.u32 $0x7, v4;
	v5 =	vand.u32 $0xFFFFFFF0, v5  }
0xea: {  	v4 =	vor.u32 v4, v5  }
0xeb: {  	v5 =	vperm.xlane v4, v1;
	_ =	sdelay $0x1  }
0xec: {  	v4 =	vperm.xlane v4, v3;
	v5 =	vadd.s32 v2, v5;
	_ =	sdelay $0x1  }
0xed: {  	v4 =	vadd.s32 v2, v4;
	_ =	sdelay $0x2  }
0xee: {  	[tilespmem:s19], [sflag:$0x1] =	stream.indirect_vreg.gather [hbm4b:s3+s2], $0x80, v5, vm0, $0xb8;
	[tilespmem:$0x17080] =	vst v63  }
0xef: {  	s4 =	simm.s32 $0x1800  }
0xf0: {  	[tilespmem:s4], [sflag:$0x1] =	stream.indirect_vreg.gather [hbm4b:s3+s2], $0x80, v4, vm0, $0xb8;
	[tilespmem:$0x17080] =	vst v63  }
0xf1: {  	v4 =	vld [tilespmem:s31+$0x50];
	_ =	sdelay $0x4  }
0xf2: {  	v5 =	vshll.u32 v4, $0x1  }
0xf3: {  	v4 =	vand.u32 $0x7, v4;
	v5 =	vand.u32 $0xFFFFFFF0, v5  }
0xf4: {  	v4 =	vor.u32 v4, v5  }
0xf5: {  	v5 =	vperm.xlane v4, v1;
	_ =	sdelay $0x1  }
0xf6: {  	v4 =	vperm.xlane v4, v3;
	v5 =	vadd.s32 v2, v5;
	_ =	sdelay $0x1  }
0xf7: {  	v4 =	vadd.s32 v2, v4;
	_ =	sdelay $0x1  }
0xf8: {  	s4 =	simm.s32 $0x2000  }
0xf9: {  	[tilespmem:s4], [sflag:$0x1] =	stream.indirect_vreg.gather [hbm4b:s3+s2], $0x80, v5, vm0, $0xb8;
	[tilespmem:$0x17080] =	vst v63  }
0xfa: {  	s4 =	simm.s32 $0x2800  }
0xfb: {  	[tilespmem:s4], [sflag:$0x1] =	stream.indirect_vreg.gather [hbm4b:s3+s2], $0x80, v4, vm0, $0xb8;
	[tilespmem:$0x17080] =	vst v63  }
0xfc: {  	v4 =	vld [tilespmem:s31+$0x60];
	_ =	sdelay $0x4  }
0xfd: {  	v5 =	vshll.u32 v4, $0x1  }
0xfe: {  	v4 =	vand.u32 $0x7, v4;
	v5 =	vand.u32 $0xFFFFFFF0, v5  }
0xff: {  	v4 =	vor.u32 v4, v5  }
0x100: {  	v5 =	vperm.xlane v4, v1;
	_ =	sdelay $0x1  }
0x101: {  	v4 =	vperm.xlane v4, v3;
	v5 =	vadd.s32 v2, v5;
	_ =	sdelay $0x1  }
0x102: {  	v4 =	vadd.s32 v2, v4;
	_ =	sdelay $0x1  }
0x103: {  	s4 =	simm.s32 $0x3000  }
0x104: {  	[tilespmem:s4], [sflag:$0x1] =	stream.indirect_vreg.gather [hbm4b:s3+s2], $0x80, v5, vm0, $0xb8;
	[tilespmem:$0x17080] =	vst v63  }
0x105: {  	s4 =	simm.s32 $0x3800  }
0x106: {  	[tilespmem:s4], [sflag:$0x1] =	stream.indirect_vreg.gather [hbm4b:s3+s2], $0x80, v4, vm0, $0xb8;
	[tilespmem:$0x17080] =	vst v63  }
0x107: {  	v4 =	vld [tilespmem:s31+$0x70];
	_ =	sdelay $0x4  }
0x108: {  	v5 =	vshll.u32 v4, $0x1  }
0x109: {  	v4 =	vand.u32 $0x7, v4;
	v5 =	vand.u32 $0xFFFFFFF0, v5  }
0x10a: {  	v4 =	vor.u32 v4, v5  }
0x10b: {  	v5 =	vperm.xlane v4, v1;
	_ =	sdelay $0x1  }
0x10c: {  	v4 =	vperm.xlane v4, v3;
	v5 =	vadd.s32 v2, v5;
	_ =	sdelay $0x1  }
0x10d: {  	v4 =	vadd.s32 v2, v4;
	_ =	sdelay $0x2  }
0x10e: {  	[tilespmem:s9], [sflag:$0x1] =	stream.indirect_vreg.gather [hbm4b:s3+s2], $0x80, v5, vm0, $0xb8;
	[tilespmem:$0x17080] =	vst v63  }
0x10f: {  	_ = 	snop  }
0x110: {  	[tilespmem:s10], [sflag:$0x1] =	stream.indirect_vreg.gather [hbm4b:s3+s2], $0x80, v4, vm0, $0xb8;
	[tilespmem:$0x17080] =	vst v63  }
0x111: {  	v4 =	vld [tilespmem:s31+$0x80];
	_ =	sdelay $0x4  }
0x112: {  	v5 =	vshll.u32 v4, $0x1  }
0x113: {  	v4 =	vand.u32 $0x7, v4;
	v5 =	vand.u32 $0xFFFFFFF0, v5  }
0x114: {  	v4 =	vor.u32 v4, v5  }
0x115: {  	v5 =	vperm.xlane v4, v1;
	_ =	sdelay $0x1  }
0x116: {  	v4 =	vperm.xlane v4, v3;
	v5 =	vadd.s32 v2, v5;
	_ =	sdelay $0x1  }
0x117: {  	v4 =	vadd.s32 v2, v4;
	_ =	sdelay $0x2  }
0x118: {  	[tilespmem:s5], [sflag:$0x1] =	stream.indirect_vreg.gather [hbm4b:s3+s2], $0x80, v5, vm0, $0xb8;
	[tilespmem:$0x17080] =	vst v63  }
0x119: {  	_ = 	snop  }
0x11a: {  	[tilespmem:s11], [sflag:$0x1] =	stream.indirect_vreg.gather [hbm4b:s3+s2], $0x80, v4, vm0, $0xb8;
	[tilespmem:$0x17080] =	vst v63  }
0x11b: {  	v4 =	vld [tilespmem:s31+$0x90];
	_ =	sdelay $0x4  }
0x11c: {  	v5 =	vshll.u32 v4, $0x1  }
0x11d: {  	v4 =	vand.u32 $0x7, v4;
	v5 =	vand.u32 $0xFFFFFFF0, v5  }
0x11e: {  	v4 =	vor.u32 v4, v5  }
0x11f: {  	v5 =	vperm.xlane v4, v1;
	_ =	sdelay $0x1  }
0x120: {  	v4 =	vperm.xlane v4, v3;
	v5 =	vadd.s32 v2, v5;
	_ =	sdelay $0x1  }
0x121: {  	v4 =	vadd.s32 v2, v4;
	_ =	sdelay $0x2  }
0x122: {  	[tilespmem:s12], [sflag:$0x1] =	stream.indirect_vreg.gather [hbm4b:s3+s2], $0x80, v5, vm0, $0xb8;
	[tilespmem:$0x17080] =	vst v63  }
0x123: {  	_ = 	snop  }
0x124: {  	[tilespmem:s8], [sflag:$0x1] =	stream.indirect_vreg.gather [hbm4b:s3+s2], $0x80, v4, vm0, $0xb8;
	[tilespmem:$0x17080] =	vst v63  }
0x125: {  	v4 =	vld [tilespmem:s31+$0xA0];
	_ =	sdelay $0x4  }
0x126: {  	v5 =	vshll.u32 v4, $0x1  }
0x127: {  	v4 =	vand.u32 $0x7, v4;
	v5 =	vand.u32 $0xFFFFFFF0, v5  }
0x128: {  	v4 =	vor.u32 v4, v5  }
0x129: {  	v5 =	vperm.xlane v4, v1;
	_ =	sdelay $0x1  }
0x12a: {  	v4 =	vperm.xlane v4, v3;
	v5 =	vadd.s32 v2, v5;
	_ =	sdelay $0x1  }
0x12b: {  	v4 =	vadd.s32 v2, v4;
	_ =	sdelay $0x2  }
0x12c: {  	[tilespmem:s13], [sflag:$0x1] =	stream.indirect_vreg.gather [hbm4b:s3+s2], $0x80, v5, vm0, $0xb8;
	[tilespmem:$0x17080] =	vst v63  }
0x12d: {  	_ = 	snop  }
0x12e: {  	[tilespmem:s6], [sflag:$0x1] =	stream.indirect_vreg.gather [hbm4b:s3+s2], $0x80, v4, vm0, $0xb8;
	[tilespmem:$0x17080] =	vst v63  }
0x12f: {  	v4 =	vld [tilespmem:s31+$0xB0];
	_ =	sdelay $0x4  }
0x130: {  	v5 =	vshll.u32 v4, $0x1  }
0x131: {  	v4 =	vand.u32 $0x7, v4;
	v5 =	vand.u32 $0xFFFFFFF0, v5  }
0x132: {  	v4 =	vor.u32 v4, v5  }
0x133: {  	v5 =	vperm.xlane v4, v1;
	_ =	sdelay $0x1  }
0x134: {  	v4 =	vperm.xlane v4, v3;
	v5 =	vadd.s32 v2, v5;
	_ =	sdelay $0x1  }
0x135: {  	v4 =	vadd.s32 v2, v4  }
.Ltmp3:
0x136: {  	_ = 	snop;
	(pc) =	sbr.rel .LBB2_4-.Ltmp3, $4  }
0x137: {  	_ = 	snop  }
0x138: {  	[tilespmem:s20], [sflag:$0x1] =	stream.indirect_vreg.gather [hbm4b:s3+s2], $0x80, v5, vm0, $0xb8;
	[tilespmem:$0x17080] =	vst v63  }
0x139: {  	_ = 	snop  }
0x13a: {  	[tilespmem:s21], [sflag:$0x1] =	stream.indirect_vreg.gather [hbm4b:s3+s2], $0x80, v4, vm0, $0xb8;
	[tilespmem:$0x17080] =	vst v63  }
.LBB2_5:
0x13b: {  	s0 =	simm.s32 $0x0  }
0x13c: {  	v4 =	vld [tilespmem:s0+$0x0];
	_ =	sdelay $0x4  }
0x13d: {  	v5 =	vsub.s32 v4, v0  }
0x13e: {  	v4 =	vand.u32 $0x7F, v4;
	v5 =	vand.u32 $0xFFFFFF80, v5  }
0x13f: {  	v4 =	vor.u32 v4, v5;
	_ =	sdelay $0x4  }
0x140: {  	v5 =	vld.idx.msk [tilespmem:v4+s16+$0x0], $0xffff;
	_ =	sdelay $0x4  }
0x141: {  	[tilespmem:s0+$0x14000] =	vst v5  }
0x142: {  	s1 =	simm.s32 $0x10;
	s31 =	simm.s32 $0x80;
	v5 =	vld.idx.msk [tilespmem:v4+s17+$0x0], $0xffff  }
.LBB2_6:
0x143: {  	p0 =	sne.s32 s31, $0x3FC0;
	v6 =	vld [tilespmem:s1+$0x0];
	_ =	sdelay $0x3  }
0x144: {  	[tilespmem:s0+$0x15000] =	vst v5  }
0x145: {  	v5 =	vsub.s32 v6, v0;
	v7 =	vld.idx.msk [tilespmem:v4+s18+$0x0], $0xffff  }
0x146: {  	v4 =	vand.u32 $0xFFFFFF80, v5;
	v5 =	vand.u32 $0x7F, v6  }
0x147: {  	v4 =	vor.u32 v5, v4;
	_ =	sdelay $0x3  }
0x148: {  	[tilespmem:s0+$0x16000] =	vst v7;
	s0 =	smov.u32 s1  }
0x149: {  	v5 =	vld.idx.msk [tilespmem:v4+s16+$0x0], $0xffff;
	_ =	sdelay $0x3  }
.Ltmp4:
0x14a: {  	(pc) =	sbr.rel @p0 .LBB2_6-.Ltmp4, $4  }
0x14b: {  	_ = 	snop  }
0x14c: {  	[tilespmem:s0+$0x14000] =	vst v5  }
0x14d: {  	v5 =	vld.idx.msk [tilespmem:v4+s17+$0x0], $0xffff  }
0x14e: {  	s1 =	sshra.s32 s31, $0x2;
	s31 =	sadd.s32 $0x40, s31  }
0x14f: {  	v6 =	vld [tilespmem:s1+$0x0];
	_ =	sdelay $0x4  }
0x150: {  	[tilespmem:s0+$0x15000] =	vst v5;
	v5 =	vsub.s32 v6, v0  }
0x151: {  	v4 =	vld.idx.msk [tilespmem:v4+s18+$0x0], $0xffff;
	v6 =	vand.u32 $0x7F, v6;
	v5 =	vand.u32 $0xFFFFFF80, v5  }
0x152: {  	v5 =	vor.u32 v6, v5;
	_ =	sdelay $0x3  }
0x153: {  	[tilespmem:s0+$0x16000] =	vst v4  }
0x154: {  	v4 =	vld.idx.msk [tilespmem:v5+s16+$0x0], $0xffff;
	_ =	sdelay $0x4  }
0x155: {  	[tilespmem:s1+$0x14000] =	vst v4  }
0x156: {  	v4 =	vld.idx.msk [tilespmem:v5+s17+$0x0], $0xffff;
	_ =	sdelay $0x4  }
0x157: {  	[tilespmem:s1+$0x15000] =	vst v4  }
0x158: {  	v4 =	vld.idx.msk [tilespmem:v5+s18+$0x0], $0xffff;
	_ =	sdelay $0x4  }
0x159: {  	s5 =	rddreg [dreg:$0x7];
	s6 =	simm.s32 $0x14000;
	[tilespmem:s1+$0x16000] =	vst v4  }
0x15a: {  	[hbm4b:s5+s2] =	stream.linear.scatter [tilespmem:s6], [sflag:$0x3], $0x1000, $0x38;
	[tilespmem:$0x17080] =	vst v63  }
0x15b: {  	_ =	swait.ge [sflag:s15], $0x1000  }
0x15c: {  	[sflag:s15] =	ssyncset.done $0x0  }
0x15d: {  	s21 =	simm.s32 $0x15000;
	s20 =	rddreg [dreg:$0xa];
	[sflag:s15] =	ssyncadd.s32 $0xFFFFF000  }
0x15e: {  	[hbm4b:s20+s2] =	stream.linear.scatter [tilespmem:s21], [sflag:$0x3], $0x1000, $0x38;
	[tilespmem:$0x17080] =	vst v63  }
0x15f: {  	_ =	swait.ge [sflag:s15], $0x1000  }
0x160: {  	[sflag:s15] =	ssyncset.done $0x0  }
0x161: {  	s4 =	simm.s32 $0x16000;
	s1 =	rddreg [dreg:$0xb];
	[sflag:s15] =	ssyncadd.s32 $0xFFFFF000  }
0x162: {  	[hbm4b:s1+s2] =	stream.linear.scatter [tilespmem:s4], [sflag:$0x3], $0x1000, $0x38;
	[tilespmem:$0x17080] =	vst v63  }
0x163: {  	_ =	swait.ge [sflag:s15], $0x1000  }
0x164: {  	[sflag:s15] =	ssyncset.done $0x0  }
0x165: {  	s6 =	simm.s32 $0x17000;
	s5 =	rddreg [dreg:$0xc];
	[sflag:s15] =	ssyncadd.s32 $0xFFFFF000  }
0x166: {  	[tilespmem:s6], [sflag:$0x3] =	stream.linear.gather [hbm4b:s5+s2], $0x80, $0x38;
	[tilespmem:$0x17080] =	vst v63  }
0x167: {  	_ =	swait.ge [sflag:s15], $0x80  }
0x168: {  	[sflag:s15] =	ssyncset.done $0x0  }
0x169: {  	[sflag:s15] =	ssyncadd.s32 $0xFFFFFF80  }
0x16a: {  	v4 =	vld [tilespmem:$0x17000];
	_ =	sdelay $0x4  }
0x16b: {  	v5 =	vshll.u32 v4, $0x1  }
0x16c: {  	v4 =	vand.u32 $0x7, v4;
	v5 =	vand.u32 $0xFFFFFFF0, v5  }
0x16d: {  	v4 =	vor.u32 v4, v5  }
0x16e: {  	v5 =	vperm.xlane v4, v1;
	_ =	sdelay $0x1  }
0x16f: {  	v4 =	vperm.xlane v4, v3;
	v5 =	vadd.s32 v2, v5;
	_ =	sdelay $0x1  }
0x170: {  	v4 =	vadd.s32 v2, v4;
	_ =	sdelay $0x2  }
0x171: {  	[tilespmem:s19], [sflag:$0x1] =	stream.indirect_vreg.gather [hbm4b:s3+s2], $0x80, v5, vm0, $0xb8;
	[tilespmem:$0x17080] =	vst v63  }
0x172: {  	s1 =	simm.s32 $0x1800  }
0x173: {  	[tilespmem:s1], [sflag:$0x1] =	stream.indirect_vreg.gather [hbm4b:s3+s2], $0x80, v4, vm0, $0xb8;
	[tilespmem:$0x17080] =	vst v63  }
0x174: {  	v4 =	vld [tilespmem:$0x17010];
	_ =	sdelay $0x4  }
0x175: {  	v5 =	vshll.u32 v4, $0x1  }
0x176: {  	v4 =	vand.u32 $0x7, v4;
	v5 =	vand.u32 $0xFFFFFFF0, v5  }
0x177: {  	v4 =	vor.u32 v4, v5  }
0x178: {  	v5 =	vperm.xlane v4, v1;
	_ =	sdelay $0x1  }
0x179: {  	v4 =	vperm.xlane v4, v3;
	v5 =	vadd.s32 v2, v5;
	_ =	sdelay $0x1  }
0x17a: {  	v4 =	vadd.s32 v2, v4;
	_ =	sdelay $0x1  }
0x17b: {  	s4 =	simm.s32 $0x2000  }
0x17c: {  	[tilespmem:s4], [sflag:$0x1] =	stream.indirect_vreg.gather [hbm4b:s3+s2], $0x80, v5, vm0, $0xb8;
	[tilespmem:$0x17080] =	vst v63  }
0x17d: {  	s31 =	simm.s32 $0x2800  }
0x17e: {  	[tilespmem:s31], [sflag:$0x1] =	stream.indirect_vreg.gather [hbm4b:s3+s2], $0x80, v4, vm0, $0xb8;
	[tilespmem:$0x17080] =	vst v63  }
0x17f: {  	v4 =	vld [tilespmem:$0x17020];
	_ =	sdelay $0x4  }
0x180: {  	v5 =	vshll.u32 v4, $0x1  }
0x181: {  	v4 =	vand.u32 $0x7, v4;
	v5 =	vand.u32 $0xFFFFFFF0, v5  }
0x182: {  	v4 =	vor.u32 v4, v5  }
0x183: {  	v5 =	vperm.xlane v4, v1;
	_ =	sdelay $0x1  }
0x184: {  	v4 =	vperm.xlane v4, v3;
	v5 =	vadd.s32 v2, v5;
	_ =	sdelay $0x1  }
0x185: {  	v4 =	vadd.s32 v2, v4;
	_ =	sdelay $0x1  }
0x186: {  	s20 =	simm.s32 $0x3000  }
0x187: {  	[tilespmem:s20], [sflag:$0x1] =	stream.indirect_vreg.gather [hbm4b:s3+s2], $0x80, v5, vm0, $0xb8;
	[tilespmem:$0x17080] =	vst v63  }
0x188: {  	s21 =	simm.s32 $0x3800  }
0x189: {  	[tilespmem:s21], [sflag:$0x1] =	stream.indirect_vreg.gather [hbm4b:s3+s2], $0x80, v4, vm0, $0xb8;
	[tilespmem:$0x17080] =	vst v63  }
0x18a: {  	v4 =	vld [tilespmem:$0x17030];
	_ =	sdelay $0x4  }
0x18b: {  	v5 =	vshll.u32 v4, $0x1  }
0x18c: {  	v4 =	vand.u32 $0x7, v4;
	v5 =	vand.u32 $0xFFFFFFF0, v5  }
0x18d: {  	v4 =	vor.u32 v4, v5  }
0x18e: {  	v5 =	vperm.xlane v4, v1;
	_ =	sdelay $0x1  }
0x18f: {  	v4 =	vperm.xlane v4, v3;
	v5 =	vadd.s32 v2, v5;
	_ =	sdelay $0x1  }
0x190: {  	v4 =	vadd.s32 v2, v4;
	_ =	sdelay $0x1  }
0x191: {  	s5 =	simm.s32 $0x4000  }
0x192: {  	[tilespmem:s5], [sflag:$0x1] =	stream.indirect_vreg.gather [hbm4b:s3+s2], $0x80, v5, vm0, $0xb8;
	[tilespmem:$0x17080] =	vst v63  }
0x193: {  	s6 =	simm.s32 $0x4800  }
0x194: {  	[tilespmem:s6], [sflag:$0x1] =	stream.indirect_vreg.gather [hbm4b:s3+s2], $0x80, v4, vm0, $0xb8;
	[tilespmem:$0x17080] =	vst v63  }
0x195: {  	v4 =	vld [tilespmem:$0x17040];
	_ =	sdelay $0x4  }
0x196: {  	v5 =	vshll.u32 v4, $0x1  }
0x197: {  	v4 =	vand.u32 $0x7, v4;
	v5 =	vand.u32 $0xFFFFFFF0, v5  }
0x198: {  	v4 =	vor.u32 v4, v5  }
0x199: {  	v5 =	vperm.xlane v4, v1;
	_ =	sdelay $0x1  }
0x19a: {  	v4 =	vperm.xlane v4, v3;
	v5 =	vadd.s32 v2, v5;
	_ =	sdelay $0x1  }
0x19b: {  	v4 =	vadd.s32 v2, v4;
	_ =	sdelay $0x1  }
0x19c: {  	s20 =	simm.s32 $0x5000  }
0x19d: {  	[tilespmem:s20], [sflag:$0x1] =	stream.indirect_vreg.gather [hbm4b:s3+s2], $0x80, v5, vm0, $0xb8;
	[tilespmem:$0x17080] =	vst v63  }
0x19e: {  	s21 =	simm.s32 $0x5800  }
0x19f: {  	[tilespmem:s21], [sflag:$0x1] =	stream.indirect_vreg.gather [hbm4b:s3+s2], $0x80, v4, vm0, $0xb8;
	[tilespmem:$0x17080] =	vst v63  }
0x1a0: {  	v4 =	vld [tilespmem:$0x17050];
	_ =	sdelay $0x4  }
0x1a1: {  	v5 =	vshll.u32 v4, $0x1  }
0x1a2: {  	v4 =	vand.u32 $0x7, v4;
	v5 =	vand.u32 $0xFFFFFFF0, v5  }
0x1a3: {  	v4 =	vor.u32 v4, v5  }
0x1a4: {  	v5 =	vperm.xlane v4, v1;
	_ =	sdelay $0x1  }
0x1a5: {  	v4 =	vperm.xlane v4, v3;
	v5 =	vadd.s32 v2, v5;
	_ =	sdelay $0x1  }
0x1a6: {  	v4 =	vadd.s32 v2, v4;
	_ =	sdelay $0x1  }
0x1a7: {  	s5 =	simm.s32 $0x6000  }
0x1a8: {  	[tilespmem:s5], [sflag:$0x1] =	stream.indirect_vreg.gather [hbm4b:s3+s2], $0x80, v5, vm0, $0xb8;
	[tilespmem:$0x17080] =	vst v63  }
0x1a9: {  	s6 =	simm.s32 $0x6800  }
0x1aa: {  	[tilespmem:s6], [sflag:$0x1] =	stream.indirect_vreg.gather [hbm4b:s3+s2], $0x80, v4, vm0, $0xb8;
	[tilespmem:$0x17080] =	vst v63  }
0x1ab: {  	v4 =	vld [tilespmem:$0x17060];
	_ =	sdelay $0x4  }
0x1ac: {  	v5 =	vshll.u32 v4, $0x1  }
0x1ad: {  	v4 =	vand.u32 $0x7, v4;
	v5 =	vand.u32 $0xFFFFFFF0, v5  }
0x1ae: {  	v4 =	vor.u32 v4, v5  }
0x1af: {  	v5 =	vperm.xlane v4, v1;
	_ =	sdelay $0x1  }
0x1b0: {  	v4 =	vperm.xlane v4, v3;
	v5 =	vadd.s32 v2, v5;
	_ =	sdelay $0x1  }
0x1b1: {  	v4 =	vadd.s32 v2, v4;
	_ =	sdelay $0x1  }
0x1b2: {  	s20 =	simm.s32 $0x7000  }
0x1b3: {  	[tilespmem:s20], [sflag:$0x1] =	stream.indirect_vreg.gather [hbm4b:s3+s2], $0x80, v5, vm0, $0xb8;
	[tilespmem:$0x17080] =	vst v63  }
0x1b4: {  	s21 =	simm.s32 $0x7800  }
0x1b5: {  	[tilespmem:s21], [sflag:$0x1] =	stream.indirect_vreg.gather [hbm4b:s3+s2], $0x80, v4, vm0, $0xb8;
	[tilespmem:$0x17080] =	vst v63  }
0x1b6: {  	v4 =	vld [tilespmem:$0x17070];
	_ =	sdelay $0x4  }
0x1b7: {  	v5 =	vshll.u32 v4, $0x1  }
0x1b8: {  	v4 =	vand.u32 $0x7, v4;
	v5 =	vand.u32 $0xFFFFFFF0, v5  }
0x1b9: {  	v4 =	vor.u32 v4, v5  }
0x1ba: {  	v5 =	vperm.xlane v4, v1;
	_ =	sdelay $0x1  }
0x1bb: {  	v4 =	vperm.xlane v4, v3;
	v5 =	vadd.s32 v2, v5;
	_ =	sdelay $0x1  }
0x1bc: {  	v4 =	vadd.s32 v2, v4;
	_ =	sdelay $0x1  }
0x1bd: {  	s5 =	simm.s32 $0x8000  }
0x1be: {  	[tilespmem:s5], [sflag:$0x1] =	stream.indirect_vreg.gather [hbm4b:s3+s2], $0x80, v5, vm0, $0xb8;
	[tilespmem:$0x17080] =	vst v63  }
0x1bf: {  	s6 =	simm.s32 $0x8800  }
0x1c0: {  	[tilespmem:s6], [sflag:$0x1] =	stream.indirect_vreg.gather [hbm4b:s3+s2], $0x80, v4, vm0, $0xb8;
	[tilespmem:$0x17080] =	vst v63  }
0x1c1: {  	_ =	swait.ge [sflag:s29], $0x8000  }
0x1c2: {  	[sflag:s29] =	ssyncset.done $0x0  }
0x1c3: {  	s20 =	rddreg [dreg:$0xd];
	[sflag:s29] =	ssyncadd.s32 $0xFFFF8000  }
0x1c4: {  	[hbm4b:s20+s2] =	stream.linear.scatter [tilespmem:s19], [sflag:$0x3], $0x8000, $0x38;
	[tilespmem:$0x17080] =	vst v63  }
0x1c5: {  	_ =	swait.ge [sflag:s15], $0x8000  }
0x1c6: {  	s5 =	rddreg [dreg:$0xf]  }
0x1c7: {  	s21 =	rddreg [dreg:$0xe];
	s5 =	sadd.s32 $0x1, s5  }
0x1c8: {  	p0 =	sne.s32 s5, s21  }
.Ltmp5:
0x1c9: {  	_ = 	snop;
	(pc) =	sbr.rel @p0 .LBB2_1-.Ltmp5, $3  }
0x1ca: {  	_ =	sdelay $0x1  }
0x1cb: {  	[sflag:s15] =	ssyncset.done $0x0  }
0x1cc: {  	[sflag:s15] =	ssyncadd.s32 $0xFFFF8000  }
0x1cd: {  	_ =	sfence.sel $0x180000  }
0x1ce: {  	[bflag:$0x0] =	sbarrier.arrive $0xFFFF  }
0x1cf: {  	_ =	strace $0x90000047  }
0x1d0: {  	s0 =	stileid.u32;
	[bflag:$0x2] =	sbarrier.arrive $0xFFFF  }
0x1d1: {  	p0 =	sne.s32 s0, $0x0;
	s0 =	rddreg [dreg:$0x4]  }
0x1d2: {  	s0 =	sadd.s32 @!p0 $0x100000, s0  }
0x1d3: {  	[sflag:s0] =	ssyncadd.tile.s32 @!p0 $0x1;
	_ =	shalt  }
.Lfunc_end2:
_tile_overlayer_lowered:
.L_overlay_start_2:
0x1d4: {  	(tag) =	ssettag $0x2  }
0x1d5: {  	s0 =	rddreg [dreg:$0x0];
	s2 =	stileid.u32  }
0x1d6: {  	s1 =	rddreg [dreg:$0x1];
	p0 =	sne.s32 s2, $0x0  }
0x1d7: {  	s3 =	rddreg [dreg:$0x2];
	[bflag:$0x3] =	sbarrier.arrive $0xFFFF;
	s2 =	simm.s32 @!p0 $0x1C03  }
0x1d8: {  	[timem:s3], [sflag:s2] =	dma.local @!p0 [hbm:s0], s1  }
0x1d9: {  	s0 =	simm.s32 @!p0 $0x3  }
0x1da: {  	_ =	swait.ge @!p0 [sflag:s0], s1  }
0x1db: {  	s1 =	ssub.s32 @!p0 $0x0, s1;
	[sflag:s0] =	ssyncset.done @!p0 $0x0  }
0x1dc: {  	[sflag:s0] =	ssyncadd.s32 @!p0 s1  }
0x1dd: {  	[bflag:$0x3] =	sbarrier.arrive $0xFFFF  }
0x1de: {  	_ =	shalt  }

</sc_bundles>
